<compile_context>
chip_gen: v7x
topology: tpu7x:2x2x1
jax: 0.10.2.dev20260603
libtpu: 0.0.44.dev20260713+nightly
codegen_flags: <defaults>
</compile_context>

<pallas_src>
import dataclasses

import jax
import jax.numpy as jnp
from jax import lax
from jax.experimental import pallas as pl
from jax.experimental.pallas import tpu as pltpu
from jax.experimental.pallas import tpu_sc as plsc

_C = 1024
_NW = 32
_CHUNK = 8000
_NCHUNK = 500
_VECS = _CHUNK // 16
_EPS = 1e-07


def _sc_compiler_params():
    cp = pltpu.CompilerParams()
    if "needs_layout_passes" in pltpu.CompilerParams.__dataclass_fields__:
        cp = dataclasses.replace(cp, needs_layout_passes=False)
    return cp


def _sc_histograms(preds, trues):
    mesh = plsc.VectorSubcoreMesh(core_axis_name="c", subcore_axis_name="s")

    @pl.kernel(
        compiler_params=_sc_compiler_params(),
        out_type=jax.ShapeDtypeStruct((3, _NW, _C), jnp.int32),
        mesh=mesh,
        scratch_types=[
            pltpu.VMEM((16 * 2 * _C,), jnp.int32),
            pltpu.VMEM((16 * _C,), jnp.int32),
            pltpu.VMEM((_C,), jnp.int32),
            pltpu.VMEM((_C,), jnp.int32),
            pltpu.VMEM((_C,), jnp.int32),
        ],
    )
    def hist_kernel(p_hbm, t_hbm, out_hbm, hc_ref, ht_ref, alo_ref, ahi_ref,
                    at_ref):
        zeros16 = jnp.zeros((16,), jnp.int32)

        @plsc.parallel_loop(0, 2 * _C * 16, step=16, unroll=8)
        def _(i):
            hc_ref[pl.ds(i, 16)] = zeros16

        @plsc.parallel_loop(0, _C * 16, step=16, unroll=8)
        def _(i):
            ht_ref[pl.ds(i, 16)] = zeros16

        lane = lax.iota(jnp.int32, 16)
        base_c = lane * (2 * _C)
        base_t = lane * _C
        ones = jnp.ones((16,), jnp.int32)

        def chunk_body(p_vmem, t_vmem):
            @plsc.parallel_loop(0, _CHUNK, step=16, unroll=8)
            def _(v):
                p = p_vmem[pl.ds(v, 16)]
                t = t_vmem[pl.ds(v, 16)]
                match = (p == t).astype(jnp.int32)
                idx_c = base_c + p + match * _C
                idx_t = base_t + t
                plsc.addupdate_scatter(hc_ref, [idx_c], ones)
                plsc.addupdate_scatter(ht_ref, [idx_t], ones)

        pltpu.emit_pipeline(
            chunk_body,
            grid=(_NCHUNK,),
            in_specs=[
                pl.BlockSpec((_CHUNK,), lambda i: (i,)),
                pl.BlockSpec((_CHUNK,), lambda i: (i,)),
            ],
            core_axis_name=("c", "s"),
            dimension_semantics=(pltpu.PARALLEL,),
        )(p_hbm, t_hbm)

        @plsc.parallel_loop(0, _C, step=16)
        def _(c0):
            vlo = jnp.zeros((16,), jnp.int32)
            vhi = jnp.zeros((16,), jnp.int32)
            vt = jnp.zeros((16,), jnp.int32)
            for lane_i in range(16):
                vlo = vlo + hc_ref[pl.ds(lane_i * 2 * _C + c0, 16)]
                vhi = vhi + hc_ref[pl.ds(lane_i * 2 * _C + _C + c0, 16)]
                vt = vt + ht_ref[pl.ds(lane_i * _C + c0, 16)]
            alo_ref[pl.ds(c0, 16)] = vlo
            ahi_ref[pl.ds(c0, 16)] = vhi
            at_ref[pl.ds(c0, 16)] = vt

        wid = lax.axis_index("s") * 2 + lax.axis_index("c")
        pltpu.sync_copy(alo_ref, out_hbm.at[0, wid])
        pltpu.sync_copy(ahi_ref, out_hbm.at[1, wid])
        pltpu.sync_copy(at_ref, out_hbm.at[2, wid])

    return hist_kernel(preds, trues)


def _f1_body(parts_ref, o_ref):
    x = parts_ref[...].astype(jnp.float32)
    s = jnp.sum(x, axis=1)
    lo = s[0:1, :]
    tp = s[1:2, :]
    ht = s[2:3, :]
    hp = lo + tp
    fn = ht - tp
    fp = hp - tp
    precision = tp / (tp + fn + _EPS)
    recall = tp / (tp + fp + _EPS)
    f1 = 2.0 * precision * recall / (precision + recall + _EPS)
    o_ref[...] = jnp.sum(f1, axis=1, keepdims=True) / 1000.0


def _f1_call(parts):
    return pl.pallas_call(
        _f1_body,
        out_shape=jax.ShapeDtypeStruct((1, 1), jnp.float32),
    )(parts)


@jax.jit
def kernel(preds, trues):
    parts = _sc_histograms(preds, trues)
    out = _f1_call(parts)
    return out[0, 0]

# --- scband reference (transcript-rebuilt; emitter-appended) ---
"""Pipeline reference for scband-f1-score-29076928594607 (READ-ONLY COPY).

The authoritative reference and input builder live on the scoring server;
editing this copy changes nothing except your own understanding.
"""

import jax, jax.numpy as jnp
import numpy as np

NUM_CLASSES = 1000
EPS = 1e-07
N = 4000000


def setup_inputs(seed: int = 0) -> dict:
    key = jax.random.key(seed)
    k1, k2 = jax.random.split(key)
    preds = jax.random.randint(k1, (N,), 0, NUM_CLASSES, dtype=jnp.int32)
    trues = jax.random.randint(k2, (N,), 0, NUM_CLASSES, dtype=jnp.int32)
    return {"preds": preds, "trues": trues}


def reference(preds, trues):
    # Confusion matrix via scatter-add: cm[true, pred] += 1
    cm = jnp.zeros((NUM_CLASSES, NUM_CLASSES), dtype=jnp.float32)
    cm = cm.at[trues, preds].add(1.0)
    tp = jnp.diagonal(cm)
    fp = jnp.sum(cm, axis=0) - tp  # column sum minus diagonal
    fn = jnp.sum(cm, axis=1) - tp  # row sum minus diagonal
    # NOTE: faithful to original module, which uses fn in the precision
    # denominator and fp in the recall denominator.
    precision = tp / (tp + fn + EPS)
    recall = tp / (tp + fp + EPS)
    f1 = 2.0 * precision * recall / (precision + recall + EPS)
    return jnp.mean(f1)

if __name__ == "__main__":
    import jax
    _d = setup_inputs()
    print(jax.jit(kernel)(*tuple(_d.values())))

</pallas_src>

<mosaic_0001>
#map = affine_map<(d0, d1) -> (0)>
#map1 = affine_map<(d0, d1) -> (0, 0, 0)>
module attributes {stable_mosaic.version = 14 : i64} {
  func.func @hist_kernel(%arg0: i32, %arg1: i32, %arg2: memref<4000000xi32, #tpu.memory_space<hbm>>, %arg3: memref<4000000xi32, #tpu.memory_space<hbm>>, %arg4: memref<3x32x1024xi32, #tpu.memory_space<hbm>>, %arg5: memref<32768xi32, #tpu.memory_space<vmem>>, %arg6: memref<16384xi32, #tpu.memory_space<vmem>>, %arg7: memref<1024xi32, #tpu.memory_space<vmem>>, %arg8: memref<1024xi32, #tpu.memory_space<vmem>>, %arg9: memref<1024xi32, #tpu.memory_space<vmem>>) attributes {dimension_semantics = [#tpu.dimension_semantics<core_parallel>, #tpu.dimension_semantics<subcore_parallel>], iteration_bounds = array<i64: 2, 16>, scalar_prefetch = 0 : i64, scratch_operands = 5 : i64, tpu.core_type = #tpu.core_type<sc_vector_subcore>, window_params = [{transform_indices = #map}, {transform_indices = #map}, {transform_indices = #map1}]} {
    %broadcast_in_dim3A = arith.constant 0 : i32
    %broadcast_in_dim3A_0 = vector.broadcast %broadcast_in_dim3A : i32 to vector<16xi32>
    %parallel_loop3A = arith.constant 0 : i32
    %parallel_loop3A_1 = arith.constant 32768 : i32
    %parallel_loop3A_2 = arith.constant 16 : i32
    scf.for %parallel_loop3A_39 = %parallel_loop3A to %parallel_loop3A_1 step %parallel_loop3A_2  : i32 {
      %parallel_loop3A_40 = arith.index_cast %parallel_loop3A_39 : i32 to index
      %parallel_loop3A_41 = tpu.vector_load %arg5[%parallel_loop3A_40] {strides = array<i32>} : memref<32768xi32, #tpu.memory_space<vmem>>, vector<16xi32>,
      tpu.vector_store %arg5[%parallel_loop3A_40], %broadcast_in_dim3A_0 {strides = array<i32>} : memref<32768xi32, #tpu.memory_space<vmem>>, vector<16xi32>,
    } {sc.loop_unroll_factor = 8 : i64, sc.parallel_access}
    %parallel_loop3A_3 = arith.constant 0 : i32
    %parallel_loop3A_4 = arith.constant 16384 : i32
    %parallel_loop3A_5 = arith.constant 16 : i32
    scf.for %parallel_loop3A_39 = %parallel_loop3A_3 to %parallel_loop3A_4 step %parallel_loop3A_5  : i32 {
      %parallel_loop3A_40 = arith.index_cast %parallel_loop3A_39 : i32 to index
      %parallel_loop3A_41 = tpu.vector_load %arg6[%parallel_loop3A_40] {strides = array<i32>} : memref<16384xi32, #tpu.memory_space<vmem>>, vector<16xi32>,
      tpu.vector_store %arg6[%parallel_loop3A_40], %broadcast_in_dim3A_0 {strides = array<i32>} : memref<16384xi32, #tpu.memory_space<vmem>>, vector<16xi32>,
    } {sc.loop_unroll_factor = 8 : i64, sc.parallel_access}
    %iota3A = tpu.iota {dimensions = array<i32: 0>} : vector<16xi32>
    %mul3A = arith.constant 2048 : i32
    %mul3A_6 = vector.broadcast %mul3A : i32 to vector<16xi32>
    %mul3A_7 = arith.muli %iota3A, %mul3A_6 : vector<16xi32>
    %mul3A_8 = arith.constant 1024 : i32
    %mul3A_9 = vector.broadcast %mul3A_8 : i32 to vector<16xi32>
    %mul3A_10 = arith.muli %iota3A, %mul3A_9 : vector<16xi32>
    %broadcast_in_dim3A_11 = arith.constant 1 : i32
    %broadcast_in_dim3A_12 = vector.broadcast %broadcast_in_dim3A_11 : i32 to vector<16xi32>
    %mul3A_13 = arith.constant 1 : i32
    %mul3A_14 = arith.muli %arg1, %mul3A_13 : i32
    %add3A = arith.constant 0 : i32
    %add3A_15 = arith.addi %add3A, %mul3A_14 : i32
    %mul3A_16 = arith.constant 16 : i32
    %mul3A_17 = arith.muli %arg0, %mul3A_16 : i32
    %add3A_18 = arith.addi %add3A_15, %mul3A_17 : i32
    %lt3A = arith.constant 20 : i32
    %lt3A_19 = arith.cmpi slt, %add3A_18, %lt3A : i32
    %jit3A = arith.constant 16 : i32
    %jit3A_20 = arith.constant 15 : i32
    %select_n3A = arith.select %lt3A_19, %jit3A, %jit3A_20 : i32
    %lt3A_21 = arith.constant 20 : i32
    %lt3A_22 = arith.cmpi slt, %add3A_18, %lt3A_21 : i32
    %mul3A_23 = arith.muli %add3A_18, %select_n3A : i32
    %mul3A_24 = arith.constant 15 : i32
    %mul3A_25 = arith.muli %add3A_18, %mul3A_24 : i32
    %add3A_26 = arith.constant 20 : i32
    %add3A_27 = arith.addi %mul3A_25, %add3A_26 : i32
    %select_n3A_28 = arith.select %lt3A_22, %mul3A_23, %add3A_27 : i32
    %mul3A_29 = arith.constant 1 : i32
    %mul3A_30 = arith.muli %mul3A_29, %select_n3A : i32
    "tpu.region"() ({
      %run_scoped3A_39 = memref.alloca() : memref<16000xi32, #tpu.memory_space<vmem>>
      %run_scoped3A_40 = tpu.sem_alloc : memref<2x!tpu.dma_semaphore, #tpu.memory_space<semaphore_mem>>
      %run_scoped3A_41 = memref.alloca() : memref<16000xi32, #tpu.memory_space<vmem>>
      %run_scoped3A_42 = tpu.sem_alloc : memref<2x!tpu.dma_semaphore, #tpu.memory_space<semaphore_mem>>
      %gt3A = arith.constant 0 : i32
      %gt3A_43 = arith.cmpi sgt, %mul3A_30, %gt3A : i32
      %convert_element_type3A = arith.extui %gt3A_43 : i1 to i32
      %cond3A = arith.constant 0 : i32
      %cond3A_44 = arith.cmpi ne, %convert_element_type3A, %cond3A : i32
      scf.if %cond3A_44 {
        %mul3A_45 = arith.constant 1 : i32
        %mul3A_46 = arith.muli %mul3A_45, %select_n3A : i32
        %sub3A = arith.constant 1 : i32
        %sub3A_47 = arith.subi %mul3A_46, %sub3A : i32
        %eq3A = arith.constant 0 : i32
        %eq3A_48 = arith.cmpi eq, %sub3A_47, %eq3A : i32
        %add3A_49 = arith.constant 0 : i32
        %add3A_50 = arith.addi %add3A_49, %select_n3A_28 : i32
        %select_n3A_51 = arith.constant true
        %select_n3A_52 = arith.constant 0 : i32
        %select_n3A_53 = arith.constant -1 : i32
        %select_n3A_54 = arith.select %select_n3A_51, %select_n3A_53, %select_n3A_52 : i32
        %eq3A_55 = arith.constant -1 : i32
        %eq3A_56 = arith.cmpi eq, %select_n3A_54, %eq3A_55 : i32
        %sub3A_57 = arith.constant 1 : i32
        %sub3A_58 = arith.subi %select_n3A, %sub3A_57 : i32
        %select_n3A_59 = arith.select %eq3A_56, %sub3A_58, %select_n3A_54 : i32
        %add3A_60 = arith.addi %select_n3A_59, %select_n3A_28 : i32
        %select_n3A_61 = arith.constant true
        %select_n3A_62 = arith.constant 0 : i32
        %select_n3A_63 = arith.constant 1 : i32
        %select_n3A_64 = arith.select %select_n3A_61, %select_n3A_63, %select_n3A_62 : i32
        %eq3A_65 = arith.cmpi eq, %select_n3A_64, %select_n3A : i32
        %select_n3A_66 = arith.constant 0 : i32
        %select_n3A_67 = arith.select %eq3A_65, %select_n3A_66, %select_n3A_64 : i32
        %add3A_68 = arith.addi %select_n3A_67, %select_n3A_28 : i32
        %add3A_69 = arith.constant 1 : i32
        %add3A_70 = arith.addi %select_n3A_67, %add3A_69 : i32
        %select_n3A_71 = arith.constant true
        %select_n3A_72 = arith.select %select_n3A_71, %add3A_70, %select_n3A_67 : i32
        %eq3A_73 = arith.cmpi eq, %select_n3A_72, %select_n3A : i32
        %select_n3A_74 = arith.constant 0 : i32
        %select_n3A_75 = arith.select %eq3A_73, %select_n3A_74, %select_n3A_72 : i32
        %add3A_76 = arith.addi %select_n3A_75, %select_n3A_28 : i32
        "tpu.trace_start"() <{level = 10 : i32, message = "ep_initialize_0"}> : () -> ()
        %rem3A = arith.constant 0 : i32
        %rem3A_77 = arith.constant 2 : i32
        %rem3A_78 = arith.remui %rem3A, %rem3A_77 : i32
        %mul3A_79 = arith.constant 8000 : i32
        %mul3A_80 = arith.muli %mul3A_79, %add3A_50 : i32
        %mul3A_81 = arith.constant 8000 : i32
        %mul3A_82 = arith.muli %rem3A_78, %mul3A_81 : i32
        %add3A_83 = arith.constant 0 : i32
        %add3A_84 = arith.addi %mul3A_82, %add3A_83 : i32
        %dma_start3A = tpu.memref_slice %run_scoped3A_39[%add3A_84] : memref<16000xi32, #tpu.memory_space<vmem>> -> memref<8000xi32, #tpu.memory_space<vmem>>
        %dma_start3A_85 = tpu.memref_slice %arg2[%mul3A_80] : memref<4000000xi32, #tpu.memory_space<hbm>> -> memref<8000xi32, #tpu.memory_space<hbm>>
        %dma_start3A_86 = tpu.memref_slice %run_scoped3A_40[%rem3A_78] : memref<2x!tpu.dma_semaphore, #tpu.memory_space<semaphore_mem>> -> memref<1x!tpu.dma_semaphore, #tpu.memory_space<semaphore_mem>>
        %dma_start3A_87 = tpu.memref_squeeze %dma_start3A_86 : memref<1x!tpu.dma_semaphore, #tpu.memory_space<semaphore_mem>> -> memref<!tpu.dma_semaphore, #tpu.memory_space<semaphore_mem>>
        %dma_start3A_88 = tpu.memref_slice %run_scoped3A_39[%add3A_84] : memref<16000xi32, #tpu.memory_space<vmem>> -> memref<8000xi32, #tpu.memory_space<vmem>>
        %dma_start3A_89 = tpu.memref_slice %arg2[%mul3A_80] : memref<4000000xi32, #tpu.memory_space<hbm>> -> memref<8000xi32, #tpu.memory_space<hbm>>
        tpu.enqueue_dma source(%dma_start3A_89 : memref<8000xi32, #tpu.memory_space<hbm>>) target(%dma_start3A_88 : memref<8000xi32, #tpu.memory_space<vmem>>) target_semaphore(%dma_start3A_87 : memref<!tpu.dma_semaphore, #tpu.memory_space<semaphore_mem>>)
        %add3A_90 = arith.constant 0 : i32
        %add3A_91 = arith.constant 1 : i32
        %add3A_92 = arith.addi %add3A_90, %add3A_91 : i32
        %select_n3A_93 = arith.constant true
        %select_n3A_94 = arith.constant 0 : i32
        %select_n3A_95 = arith.select %select_n3A_93, %add3A_92, %select_n3A_94 : i32
        %rem3A_96 = arith.constant 0 : i32
        %rem3A_97 = arith.constant 2 : i32
        %rem3A_98 = arith.remui %rem3A_96, %rem3A_97 : i32
        %mul3A_99 = arith.constant 8000 : i32
        %mul3A_100 = arith.muli %mul3A_99, %add3A_50 : i32
        %mul3A_101 = arith.constant 8000 : i32
        %mul3A_102 = arith.muli %rem3A_98, %mul3A_101 : i32
        %add3A_103 = arith.constant 0 : i32
        %add3A_104 = arith.addi %mul3A_102, %add3A_103 : i32
        %dma_start3A_105 = tpu.memref_slice %run_scoped3A_41[%add3A_104] : memref<16000xi32, #tpu.memory_space<vmem>> -> memref<8000xi32, #tpu.memory_space<vmem>>
        %dma_start3A_106 = tpu.memref_slice %arg3[%mul3A_100] : memref<4000000xi32, #tpu.memory_space<hbm>> -> memref<8000xi32, #tpu.memory_space<hbm>>
        %dma_start3A_107 = tpu.memref_slice %run_scoped3A_42[%rem3A_98] : memref<2x!tpu.dma_semaphore, #tpu.memory_space<semaphore_mem>> -> memref<1x!tpu.dma_semaphore, #tpu.memory_space<semaphore_mem>>
        %dma_start3A_108 = tpu.memref_squeeze %dma_start3A_107 : memref<1x!tpu.dma_semaphore, #tpu.memory_space<semaphore_mem>> -> memref<!tpu.dma_semaphore, #tpu.memory_space<semaphore_mem>>
        %dma_start3A_109 = tpu.memref_slice %run_scoped3A_41[%add3A_104] : memref<16000xi32, #tpu.memory_space<vmem>> -> memref<8000xi32, #tpu.memory_space<vmem>>
        %dma_start3A_110 = tpu.memref_slice %arg3[%mul3A_100] : memref<4000000xi32, #tpu.memory_space<hbm>> -> memref<8000xi32, #tpu.memory_space<hbm>>
        tpu.enqueue_dma source(%dma_start3A_110 : memref<8000xi32, #tpu.memory_space<hbm>>) target(%dma_start3A_109 : memref<8000xi32, #tpu.memory_space<vmem>>) target_semaphore(%dma_start3A_108 : memref<!tpu.dma_semaphore, #tpu.memory_space<semaphore_mem>>)
        %add3A_111 = arith.constant 0 : i32
        %add3A_112 = arith.constant 1 : i32
        %add3A_113 = arith.addi %add3A_111, %add3A_112 : i32
        %select_n3A_114 = arith.constant true
        %select_n3A_115 = arith.constant 0 : i32
        %select_n3A_116 = arith.select %select_n3A_114, %add3A_113, %select_n3A_115 : i32
        %while3A = arith.constant 0 : i32
        %while3A_117 = arith.constant 0 : i32
        %while3A_118 = arith.constant 0 : i32
        %while3A_119 = arith.constant 0 : i32
        "tpu.trace_stop"() : () -> ()
        %while3A_120 = arith.subi %mul3A_30, %while3A : i32
        %while3A_121 = arith.addi %while3A, %while3A_120 : i32
        %while3A_122 = arith.constant 1 : i32
        %while3A_123 = arith.divsi %while3A_120, %while3A_122 : i32
        %while3A_124 = arith.muli %while3A_123, %while3A_122 : i32
        %while3A_125 = arith.addi %while3A, %while3A_124 : i32
        %while3A_126 = arith.constant 1 : i32
        %while3A_127:5 = scf.for %while3A_181 = %while3A to %while3A_125 step %while3A_126 iter_args(%while3A_182 = %select_n3A_95, %while3A_183 = %while3A_117, %while3A_184 = %select_n3A_116, %while3A_185 = %while3A_118, %while3A_186 = %while3A_119) -> (i32, i32, i32, i32, i32)  : i32 {
          %mul3A_187 = arith.constant 1 : i32
          %mul3A_188 = arith.muli %mul3A_187, %select_n3A : i32
          %eq3A_189 = arith.constant 0 : i32
          %eq3A_190 = arith.cmpi eq, %while3A_181, %eq3A_189 : i32
          %sub3A_191 = arith.constant 1 : i32
          %sub3A_192 = arith.subi %mul3A_188, %sub3A_191 : i32
          %eq3A_193 = arith.cmpi eq, %while3A_181, %sub3A_192 : i32
          %add3A_194 = arith.addi %while3A_186, %select_n3A_28 : i32
          %sub3A_195 = arith.constant 1 : i32
          %sub3A_196 = arith.subi %while3A_186, %sub3A_195 : i32
          %select_n3A_197 = arith.constant true
          %select_n3A_198 = arith.select %select_n3A_197, %sub3A_196, %while3A_186 : i32
          %eq3A_199 = arith.constant -1 : i32
          %eq3A_200 = arith.cmpi eq, %select_n3A_198, %eq3A_199 : i32
          %sub3A_201 = arith.constant 1 : i32
          %sub3A_202 = arith.subi %select_n3A, %sub3A_201 : i32
          %select_n3A_203 = arith.select %eq3A_200, %sub3A_202, %select_n3A_198 : i32
          %add3A_204 = arith.addi %select_n3A_203, %select_n3A_28 : i32
          %add3A_205 = arith.constant 1 : i32
          %add3A_206 = arith.addi %while3A_186, %add3A_205 : i32
          %select_n3A_207 = arith.constant true
          %select_n3A_208 = arith.select %select_n3A_207, %add3A_206, %while3A_186 : i32
          %eq3A_209 = arith.cmpi eq, %select_n3A_208, %select_n3A : i32
          %select_n3A_210 = arith.constant 0 : i32
          %select_n3A_211 = arith.select %eq3A_209, %select_n3A_210, %select_n3A_208 : i32
          %add3A_212 = arith.addi %select_n3A_211, %select_n3A_28 : i32
          %add3A_213 = arith.constant 1 : i32
          %add3A_214 = arith.addi %select_n3A_211, %add3A_213 : i32
          %select_n3A_215 = arith.constant true
          %select_n3A_216 = arith.select %select_n3A_215, %add3A_214, %select_n3A_211 : i32
          %eq3A_217 = arith.cmpi eq, %select_n3A_216, %select_n3A : i32
          %select_n3A_218 = arith.constant 0 : i32
          %select_n3A_219 = arith.select %eq3A_217, %select_n3A_218, %select_n3A_216 : i32
          %add3A_220 = arith.addi %select_n3A_219, %select_n3A_28 : i32
          %ne3A = arith.cmpi ne, %add3A_194, %add3A_212 : i32
          %or3A = arith.constant false
          %or3A_221 = arith.ori %or3A, %ne3A : i1
          %sub3A_222 = arith.constant 2 : i32
          %sub3A_223 = arith.subi %mul3A_188, %sub3A_222 : i32
          %add3A_224 = arith.constant 1 : i32
          %add3A_225 = arith.addi %sub3A_223, %add3A_224 : i32
          %ge3A = arith.cmpi sge, %while3A_181, %add3A_225 : i32
          %not3A = arith.constant true
          %not3A_226 = arith.xori %ge3A, %not3A : i1
          %and3A = arith.andi %or3A_221, %not3A_226 : i1
          %convert_element_type3A_227 = arith.extui %and3A : i1 to i32
          %cond3A_228 = arith.constant 0 : i32
          %cond3A_229 = arith.cmpi ne, %convert_element_type3A_227, %cond3A_228 : i32
          scf.if %cond3A_229 {
            "tpu.trace_start"() <{level = 10 : i32, message = "ep_copy_in"}> : () -> ()
            %rem3A_340 = arith.constant 2 : i32
            %rem3A_341 = arith.remui %while3A_182, %rem3A_340 : i32
            %mul3A_342 = arith.constant 8000 : i32
            %mul3A_343 = arith.muli %mul3A_342, %add3A_212 : i32
            %mul3A_344 = arith.constant 8000 : i32
            %mul3A_345 = arith.muli %rem3A_341, %mul3A_344 : i32
            %add3A_346 = arith.constant 0 : i32
            %add3A_347 = arith.addi %mul3A_345, %add3A_346 : i32
            %dma_start3A_348 = tpu.memref_slice %run_scoped3A_39[%add3A_347] : memref<16000xi32, #tpu.memory_space<vmem>> -> memref<8000xi32, #tpu.memory_space<vmem>>
            %dma_start3A_349 = tpu.memref_slice %arg2[%mul3A_343] : memref<4000000xi32, #tpu.memory_space<hbm>> -> memref<8000xi32, #tpu.memory_space<hbm>>
            %dma_start3A_350 = tpu.memref_slice %run_scoped3A_40[%rem3A_341] : memref<2x!tpu.dma_semaphore, #tpu.memory_space<semaphore_mem>> -> memref<1x!tpu.dma_semaphore, #tpu.memory_space<semaphore_mem>>
            %dma_start3A_351 = tpu.memref_squeeze %dma_start3A_350 : memref<1x!tpu.dma_semaphore, #tpu.memory_space<semaphore_mem>> -> memref<!tpu.dma_semaphore, #tpu.memory_space<semaphore_mem>>
            %dma_start3A_352 = tpu.memref_slice %run_scoped3A_39[%add3A_347] : memref<16000xi32, #tpu.memory_space<vmem>> -> memref<8000xi32, #tpu.memory_space<vmem>>
            %dma_start3A_353 = tpu.memref_slice %arg2[%mul3A_343] : memref<4000000xi32, #tpu.memory_space<hbm>> -> memref<8000xi32, #tpu.memory_space<hbm>>
            tpu.enqueue_dma source(%dma_start3A_353 : memref<8000xi32, #tpu.memory_space<hbm>>) target(%dma_start3A_352 : memref<8000xi32, #tpu.memory_space<vmem>>) target_semaphore(%dma_start3A_351 : memref<!tpu.dma_semaphore, #tpu.memory_space<semaphore_mem>>)
            "tpu.trace_stop"() : () -> ()
          } else {
          }
          %and3A_230 = arith.constant true
          %and3A_231 = arith.andi %and3A, %and3A_230 : i1
          %add3A_232 = arith.constant 1 : i32
          %add3A_233 = arith.addi %while3A_182, %add3A_232 : i32
          %select_n3A_234 = arith.select %and3A_231, %add3A_233, %while3A_182 : i32
          %ne3A_235 = arith.cmpi ne, %add3A_194, %add3A_212 : i32
          %or3A_236 = arith.constant false
          %or3A_237 = arith.ori %or3A_236, %ne3A_235 : i1
          %sub3A_238 = arith.constant 2 : i32
          %sub3A_239 = arith.subi %mul3A_188, %sub3A_238 : i32
          %add3A_240 = arith.constant 1 : i32
          %add3A_241 = arith.addi %sub3A_239, %add3A_240 : i32
          %ge3A_242 = arith.cmpi sge, %while3A_181, %add3A_241 : i32
          %not3A_243 = arith.constant true
          %not3A_244 = arith.xori %ge3A_242, %not3A_243 : i1
          %and3A_245 = arith.andi %or3A_237, %not3A_244 : i1
          %convert_element_type3A_246 = arith.extui %and3A_245 : i1 to i32
          %cond3A_247 = arith.constant 0 : i32
          %cond3A_248 = arith.cmpi ne, %convert_element_type3A_246, %cond3A_247 : i32
          scf.if %cond3A_248 {
            "tpu.trace_start"() <{level = 10 : i32, message = "ep_copy_in"}> : () -> ()
            %rem3A_340 = arith.constant 2 : i32
            %rem3A_341 = arith.remui %while3A_184, %rem3A_340 : i32
            %mul3A_342 = arith.constant 8000 : i32
            %mul3A_343 = arith.muli %mul3A_342, %add3A_212 : i32
            %mul3A_344 = arith.constant 8000 : i32
            %mul3A_345 = arith.muli %rem3A_341, %mul3A_344 : i32
            %add3A_346 = arith.constant 0 : i32
            %add3A_347 = arith.addi %mul3A_345, %add3A_346 : i32
            %dma_start3A_348 = tpu.memref_slice %run_scoped3A_41[%add3A_347] : memref<16000xi32, #tpu.memory_space<vmem>> -> memref<8000xi32, #tpu.memory_space<vmem>>
            %dma_start3A_349 = tpu.memref_slice %arg3[%mul3A_343] : memref<4000000xi32, #tpu.memory_space<hbm>> -> memref<8000xi32, #tpu.memory_space<hbm>>
            %dma_start3A_350 = tpu.memref_slice %run_scoped3A_42[%rem3A_341] : memref<2x!tpu.dma_semaphore, #tpu.memory_space<semaphore_mem>> -> memref<1x!tpu.dma_semaphore, #tpu.memory_space<semaphore_mem>>
            %dma_start3A_351 = tpu.memref_squeeze %dma_start3A_350 : memref<1x!tpu.dma_semaphore, #tpu.memory_space<semaphore_mem>> -> memref<!tpu.dma_semaphore, #tpu.memory_space<semaphore_mem>>
            %dma_start3A_352 = tpu.memref_slice %run_scoped3A_41[%add3A_347] : memref<16000xi32, #tpu.memory_space<vmem>> -> memref<8000xi32, #tpu.memory_space<vmem>>
            %dma_start3A_353 = tpu.memref_slice %arg3[%mul3A_343] : memref<4000000xi32, #tpu.memory_space<hbm>> -> memref<8000xi32, #tpu.memory_space<hbm>>
            tpu.enqueue_dma source(%dma_start3A_353 : memref<8000xi32, #tpu.memory_space<hbm>>) target(%dma_start3A_352 : memref<8000xi32, #tpu.memory_space<vmem>>) target_semaphore(%dma_start3A_351 : memref<!tpu.dma_semaphore, #tpu.memory_space<semaphore_mem>>)
            "tpu.trace_stop"() : () -> ()
          } else {
          }
          %and3A_249 = arith.constant true
          %and3A_250 = arith.andi %and3A_245, %and3A_249 : i1
          %add3A_251 = arith.constant 1 : i32
          %add3A_252 = arith.addi %while3A_184, %add3A_251 : i32
          %select_n3A_253 = arith.select %and3A_250, %add3A_252, %while3A_184 : i32
          %ne3A_254 = arith.cmpi ne, %add3A_194, %add3A_204 : i32
          %or3A_255 = arith.constant false
          %or3A_256 = arith.ori %or3A_255, %ne3A_254 : i1
          %or3A_257 = arith.ori %or3A_256, %eq3A_190 : i1
          %convert_element_type3A_258 = arith.extui %or3A_257 : i1 to i32
          %cond3A_259 = arith.constant 0 : i32
          %cond3A_260 = arith.cmpi ne, %convert_element_type3A_258, %cond3A_259 : i32
          scf.if %cond3A_260 {
            "tpu.trace_start"() <{level = 10 : i32, message = "ep_wait_in"}> : () -> ()
            %mul3A_340 = arith.constant 8000 : i32
            %mul3A_341 = arith.muli %mul3A_340, %add3A_194 : i32
            %rem3A_342 = arith.constant 2 : i32
            %rem3A_343 = arith.remui %while3A_183, %rem3A_342 : i32
            %mul3A_344 = arith.constant 8000 : i32
            %mul3A_345 = arith.muli %rem3A_343, %mul3A_344 : i32
            %add3A_346 = arith.constant 0 : i32
            %add3A_347 = arith.addi %mul3A_345, %add3A_346 : i32
            %dma_wait3A = tpu.memref_slice %run_scoped3A_39[%add3A_347] : memref<16000xi32, #tpu.memory_space<vmem>> -> memref<8000xi32, #tpu.memory_space<vmem>>
            %dma_wait3A_348 = tpu.memref_slice %arg2[%mul3A_341] : memref<4000000xi32, #tpu.memory_space<hbm>> -> memref<8000xi32, #tpu.memory_space<hbm>>
            %dma_wait3A_349 = tpu.memref_slice %run_scoped3A_40[%rem3A_343] : memref<2x!tpu.dma_semaphore, #tpu.memory_space<semaphore_mem>> -> memref<1x!tpu.dma_semaphore, #tpu.memory_space<semaphore_mem>>
            %dma_wait3A_350 = tpu.memref_squeeze %dma_wait3A_349 : memref<1x!tpu.dma_semaphore, #tpu.memory_space<semaphore_mem>> -> memref<!tpu.dma_semaphore, #tpu.memory_space<semaphore_mem>>
            %dma_wait3A_351 = tpu.memref_slice %run_scoped3A_39[%add3A_347] : memref<16000xi32, #tpu.memory_space<vmem>> -> memref<8000xi32, #tpu.memory_space<vmem>>
            %dma_wait3A_352 = tpu.memref_slice %arg2[%mul3A_341] : memref<4000000xi32, #tpu.memory_space<hbm>> -> memref<8000xi32, #tpu.memory_space<hbm>>
            tpu.wait_dma2 semaphore(%dma_wait3A_350 : memref<!tpu.dma_semaphore, #tpu.memory_space<semaphore_mem>>) src(%dma_wait3A_352 : memref<8000xi32, #tpu.memory_space<hbm>>) dst(%dma_wait3A_351 : memref<8000xi32, #tpu.memory_space<vmem>>)
            "tpu.trace_stop"() : () -> ()
          } else {
          }
          %ne3A_261 = arith.cmpi ne, %add3A_194, %add3A_204 : i32
          %or3A_262 = arith.constant false
          %or3A_263 = arith.ori %or3A_262, %ne3A_261 : i1
          %or3A_264 = arith.ori %or3A_263, %eq3A_190 : i1
          %convert_element_type3A_265 = arith.extui %or3A_264 : i1 to i32
          %cond3A_266 = arith.constant 0 : i32
          %cond3A_267 = arith.cmpi ne, %convert_element_type3A_265, %cond3A_266 : i32
          scf.if %cond3A_267 {
            "tpu.trace_start"() <{level = 10 : i32, message = "ep_wait_in"}> : () -> ()
            %mul3A_340 = arith.constant 8000 : i32
            %mul3A_341 = arith.muli %mul3A_340, %add3A_194 : i32
            %rem3A_342 = arith.constant 2 : i32
            %rem3A_343 = arith.remui %while3A_185, %rem3A_342 : i32
            %mul3A_344 = arith.constant 8000 : i32
            %mul3A_345 = arith.muli %rem3A_343, %mul3A_344 : i32
            %add3A_346 = arith.constant 0 : i32
            %add3A_347 = arith.addi %mul3A_345, %add3A_346 : i32
            %dma_wait3A = tpu.memref_slice %run_scoped3A_41[%add3A_347] : memref<16000xi32, #tpu.memory_space<vmem>> -> memref<8000xi32, #tpu.memory_space<vmem>>
            %dma_wait3A_348 = tpu.memref_slice %arg3[%mul3A_341] : memref<4000000xi32, #tpu.memory_space<hbm>> -> memref<8000xi32, #tpu.memory_space<hbm>>
            %dma_wait3A_349 = tpu.memref_slice %run_scoped3A_42[%rem3A_343] : memref<2x!tpu.dma_semaphore, #tpu.memory_space<semaphore_mem>> -> memref<1x!tpu.dma_semaphore, #tpu.memory_space<semaphore_mem>>
            %dma_wait3A_350 = tpu.memref_squeeze %dma_wait3A_349 : memref<1x!tpu.dma_semaphore, #tpu.memory_space<semaphore_mem>> -> memref<!tpu.dma_semaphore, #tpu.memory_space<semaphore_mem>>
            %dma_wait3A_351 = tpu.memref_slice %run_scoped3A_41[%add3A_347] : memref<16000xi32, #tpu.memory_space<vmem>> -> memref<8000xi32, #tpu.memory_space<vmem>>
            %dma_wait3A_352 = tpu.memref_slice %arg3[%mul3A_341] : memref<4000000xi32, #tpu.memory_space<hbm>> -> memref<8000xi32, #tpu.memory_space<hbm>>
            tpu.wait_dma2 semaphore(%dma_wait3A_350 : memref<!tpu.dma_semaphore, #tpu.memory_space<semaphore_mem>>) src(%dma_wait3A_352 : memref<8000xi32, #tpu.memory_space<hbm>>) dst(%dma_wait3A_351 : memref<8000xi32, #tpu.memory_space<vmem>>)
            "tpu.trace_stop"() : () -> ()
          } else {
          }
          %rem3A_268 = arith.constant 2 : i32
          %rem3A_269 = arith.remui %while3A_183, %rem3A_268 : i32
          %mul3A_270 = arith.constant 8000 : i32
          %mul3A_271 = arith.muli %rem3A_269, %mul3A_270 : i32
          %rem3A_272 = arith.constant 2 : i32
          %rem3A_273 = arith.remui %while3A_185, %rem3A_272 : i32
          %mul3A_274 = arith.constant 8000 : i32
          %mul3A_275 = arith.muli %rem3A_273, %mul3A_274 : i32
          %parallel_loop3A_276 = arith.constant 0 : i32
          %parallel_loop3A_277 = arith.constant 8000 : i32
          %parallel_loop3A_278 = arith.constant 16 : i32
          "tpu.trace_start"() <{level = 10 : i32, message = "ep_run_kernel"}> : () -> ()
          scf.for %parallel_loop3A_340 = %parallel_loop3A_276 to %parallel_loop3A_277 step %parallel_loop3A_278  : i32 {
            %parallel_loop3A_341 = tpu.memref_slice %run_scoped3A_39[%mul3A_271] : memref<16000xi32, #tpu.memory_space<vmem>> -> memref<8000xi32, #tpu.memory_space<vmem>>
            %parallel_loop3A_342 = arith.index_cast %parallel_loop3A_340 : i32 to index
            %parallel_loop3A_343 = tpu.vector_load %parallel_loop3A_341[%parallel_loop3A_342] {strides = array<i32>} : memref<8000xi32, #tpu.memory_space<vmem>>, vector<16xi32>,
            %parallel_loop3A_344 = tpu.memref_slice %run_scoped3A_41[%mul3A_275] : memref<16000xi32, #tpu.memory_space<vmem>> -> memref<8000xi32, #tpu.memory_space<vmem>>
            %parallel_loop3A_345 = arith.index_cast %parallel_loop3A_340 : i32 to index
            %parallel_loop3A_346 = tpu.vector_load %parallel_loop3A_344[%parallel_loop3A_345] {strides = array<i32>} : memref<8000xi32, #tpu.memory_space<vmem>>, vector<16xi32>,
            %parallel_loop3A_347 = arith.cmpi eq, %parallel_loop3A_343, %parallel_loop3A_346 : vector<16xi32>
            %parallel_loop3A_348 = arith.extui %parallel_loop3A_347 : vector<16xi1> to vector<16xi32>
            %parallel_loop3A_349 = arith.addi %mul3A_7, %parallel_loop3A_343 : vector<16xi32>
            %parallel_loop3A_350 = arith.constant 1024 : i32
            %parallel_loop3A_351 = vector.broadcast %parallel_loop3A_350 : i32 to vector<16xi32>
            %parallel_loop3A_352 = arith.muli %parallel_loop3A_348, %parallel_loop3A_351 : vector<16xi32>
            %parallel_loop3A_353 = arith.addi %parallel_loop3A_349, %parallel_loop3A_352 : vector<16xi32>
            %parallel_loop3A_354 = arith.addi %mul3A_10, %parallel_loop3A_346 : vector<16xi32>
            tpu.vector_store_idx %arg5[%parallel_loop3A_353], %broadcast_in_dim3A_12 {add = true} : memref<32768xi32, #tpu.memory_space<vmem>>[vector<16xi32>], vector<16xi32>,
            tpu.vector_store_idx %arg6[%parallel_loop3A_354], %broadcast_in_dim3A_12 {add = true} : memref<16384xi32, #tpu.memory_space<vmem>>[vector<16xi32>], vector<16xi32>,
          } {sc.loop_unroll_factor = 8 : i64, sc.parallel_access}
          "tpu.trace_stop"() : () -> ()
          %ne3A_279 = arith.cmpi ne, %add3A_194, %add3A_212 : i32
          %or3A_280 = arith.constant false
          %or3A_281 = arith.ori %or3A_280, %ne3A_279 : i1
          %or3A_282 = arith.ori %or3A_281, %eq3A_193 : i1
          %convert_element_type3A_283 = arith.extui %or3A_282 : i1 to i32
          %cond3A_284 = arith.constant 0 : i32
          %cond3A_285 = arith.cmpi ne, %convert_element_type3A_283, %cond3A_284 : i32
          scf.if %cond3A_285 {
          } else {
          }
          %and3A_286 = arith.constant false
          %and3A_287 = arith.andi %or3A_282, %and3A_286 : i1
          %ne3A_288 = arith.cmpi ne, %add3A_194, %add3A_212 : i32
          %or3A_289 = arith.constant false
          %or3A_290 = arith.ori %or3A_289, %ne3A_288 : i1
          %or3A_291 = arith.ori %or3A_290, %eq3A_193 : i1
          %convert_element_type3A_292 = arith.extui %or3A_291 : i1 to i32
          %cond3A_293 = arith.constant 0 : i32
          %cond3A_294 = arith.cmpi ne, %convert_element_type3A_292, %cond3A_293 : i32
          scf.if %cond3A_294 {
          } else {
          }
          %and3A_295 = arith.constant false
          %and3A_296 = arith.andi %or3A_291, %and3A_295 : i1
          %ne3A_297 = arith.cmpi ne, %add3A_194, %add3A_204 : i32
          %or3A_298 = arith.constant false
          %or3A_299 = arith.ori %or3A_298, %ne3A_297 : i1
          %not3A_300 = arith.constant true
          %not3A_301 = arith.xori %eq3A_190, %not3A_300 : i1
          %and3A_302 = arith.andi %or3A_299, %not3A_301 : i1
          %convert_element_type3A_303 = arith.extui %and3A_302 : i1 to i32
          %cond3A_304 = arith.constant 0 : i32
          %cond3A_305 = arith.cmpi ne, %convert_element_type3A_303, %cond3A_304 : i32
          scf.if %cond3A_305 {
          } else {
          }
          %and3A_306 = arith.constant false
          %and3A_307 = arith.andi %and3A_302, %and3A_306 : i1
          %ne3A_308 = arith.cmpi ne, %add3A_194, %add3A_204 : i32
          %or3A_309 = arith.constant false
          %or3A_310 = arith.ori %or3A_309, %ne3A_308 : i1
          %not3A_311 = arith.constant true
          %not3A_312 = arith.xori %eq3A_190, %not3A_311 : i1
          %and3A_313 = arith.andi %or3A_310, %not3A_312 : i1
          %convert_element_type3A_314 = arith.extui %and3A_313 : i1 to i32
          %cond3A_315 = arith.constant 0 : i32
          %cond3A_316 = arith.cmpi ne, %convert_element_type3A_314, %cond3A_315 : i32
          scf.if %cond3A_316 {
          } else {
          }
          %and3A_317 = arith.constant false
          %and3A_318 = arith.andi %and3A_313, %and3A_317 : i1
          %ne3A_319 = arith.cmpi ne, %add3A_194, %add3A_212 : i32
          %or3A_320 = arith.constant false
          %or3A_321 = arith.ori %or3A_320, %ne3A_319 : i1
          %or3A_322 = arith.ori %or3A_321, %eq3A_193 : i1
          %add3A_323 = arith.constant 1 : i32
          %add3A_324 = arith.addi %while3A_183, %add3A_323 : i32
          %select_n3A_325 = arith.select %or3A_322, %add3A_324, %while3A_183 : i32
          %ne3A_326 = arith.cmpi ne, %add3A_194, %add3A_212 : i32
          %or3A_327 = arith.constant false
          %or3A_328 = arith.ori %or3A_327, %ne3A_326 : i1
          %or3A_329 = arith.ori %or3A_328, %eq3A_193 : i1
          %add3A_330 = arith.constant 1 : i32
          %add3A_331 = arith.addi %while3A_185, %add3A_330 : i32
          %select_n3A_332 = arith.select %or3A_329, %add3A_331, %while3A_185 : i32
          %add3A_333 = arith.constant 1 : i32
          %add3A_334 = arith.addi %while3A_186, %add3A_333 : i32
          %select_n3A_335 = arith.constant true
          %select_n3A_336 = arith.select %select_n3A_335, %add3A_334, %while3A_186 : i32
          %eq3A_337 = arith.cmpi eq, %select_n3A_336, %select_n3A : i32
          %select_n3A_338 = arith.constant 0 : i32
          %select_n3A_339 = arith.select %eq3A_337, %select_n3A_338, %select_n3A_336 : i32
          scf.yield %select_n3A_234, %select_n3A_325, %select_n3A_253, %select_n3A_332, %select_n3A_339 : i32, i32, i32, i32, i32
        }
        %while3A_128 = arith.constant 1 : i32
        %while3A_129:5 = scf.for %while3A_181 = %while3A_125 to %while3A_121 step %while3A_128 iter_args(%while3A_182 = %while3A_127#0, %while3A_183 = %while3A_127#1, %while3A_184 = %while3A_127#2, %while3A_185 = %while3A_127#3, %while3A_186 = %while3A_127#4) -> (i32, i32, i32, i32, i32)  : i32 {
          %mul3A_187 = arith.constant 1 : i32
          %mul3A_188 = arith.muli %mul3A_187, %select_n3A : i32
          %eq3A_189 = arith.constant 0 : i32
          %eq3A_190 = arith.cmpi eq, %while3A_181, %eq3A_189 : i32
          %sub3A_191 = arith.constant 1 : i32
          %sub3A_192 = arith.subi %mul3A_188, %sub3A_191 : i32
          %eq3A_193 = arith.cmpi eq, %while3A_181, %sub3A_192 : i32
          %add3A_194 = arith.addi %while3A_186, %select_n3A_28 : i32
          %sub3A_195 = arith.constant 1 : i32
          %sub3A_196 = arith.subi %while3A_186, %sub3A_195 : i32
          %select_n3A_197 = arith.constant true
          %select_n3A_198 = arith.select %select_n3A_197, %sub3A_196, %while3A_186 : i32
          %eq3A_199 = arith.constant -1 : i32
          %eq3A_200 = arith.cmpi eq, %select_n3A_198, %eq3A_199 : i32
          %sub3A_201 = arith.constant 1 : i32
          %sub3A_202 = arith.subi %select_n3A, %sub3A_201 : i32
          %select_n3A_203 = arith.select %eq3A_200, %sub3A_202, %select_n3A_198 : i32
          %add3A_204 = arith.addi %select_n3A_203, %select_n3A_28 : i32
          %add3A_205 = arith.constant 1 : i32
          %add3A_206 = arith.addi %while3A_186, %add3A_205 : i32
          %select_n3A_207 = arith.constant true
          %select_n3A_208 = arith.select %select_n3A_207, %add3A_206, %while3A_186 : i32
          %eq3A_209 = arith.cmpi eq, %select_n3A_208, %select_n3A : i32
          %select_n3A_210 = arith.constant 0 : i32
          %select_n3A_211 = arith.select %eq3A_209, %select_n3A_210, %select_n3A_208 : i32
          %add3A_212 = arith.addi %select_n3A_211, %select_n3A_28 : i32
          %add3A_213 = arith.constant 1 : i32
          %add3A_214 = arith.addi %select_n3A_211, %add3A_213 : i32
          %select_n3A_215 = arith.constant true
          %select_n3A_216 = arith.select %select_n3A_215, %add3A_214, %select_n3A_211 : i32
          %eq3A_217 = arith.cmpi eq, %select_n3A_216, %select_n3A : i32
          %select_n3A_218 = arith.constant 0 : i32
          %select_n3A_219 = arith.select %eq3A_217, %select_n3A_218, %select_n3A_216 : i32
          %add3A_220 = arith.addi %select_n3A_219, %select_n3A_28 : i32
          %ne3A = arith.cmpi ne, %add3A_194, %add3A_212 : i32
          %or3A = arith.constant false
          %or3A_221 = arith.ori %or3A, %ne3A : i1
          %sub3A_222 = arith.constant 2 : i32
          %sub3A_223 = arith.subi %mul3A_188, %sub3A_222 : i32
          %add3A_224 = arith.constant 1 : i32
          %add3A_225 = arith.addi %sub3A_223, %add3A_224 : i32
          %ge3A = arith.cmpi sge, %while3A_181, %add3A_225 : i32
          %not3A = arith.constant true
          %not3A_226 = arith.xori %ge3A, %not3A : i1
          %and3A = arith.andi %or3A_221, %not3A_226 : i1
          %convert_element_type3A_227 = arith.extui %and3A : i1 to i32
          %cond3A_228 = arith.constant 0 : i32
          %cond3A_229 = arith.cmpi ne, %convert_element_type3A_227, %cond3A_228 : i32
          scf.if %cond3A_229 {
            "tpu.trace_start"() <{level = 10 : i32, message = "ep_copy_in"}> : () -> ()
            %rem3A_340 = arith.constant 2 : i32
            %rem3A_341 = arith.remui %while3A_182, %rem3A_340 : i32
            %mul3A_342 = arith.constant 8000 : i32
            %mul3A_343 = arith.muli %mul3A_342, %add3A_212 : i32
            %mul3A_344 = arith.constant 8000 : i32
            %mul3A_345 = arith.muli %rem3A_341, %mul3A_344 : i32
            %add3A_346 = arith.constant 0 : i32
            %add3A_347 = arith.addi %mul3A_345, %add3A_346 : i32
            %dma_start3A_348 = tpu.memref_slice %run_scoped3A_39[%add3A_347] : memref<16000xi32, #tpu.memory_space<vmem>> -> memref<8000xi32, #tpu.memory_space<vmem>>
            %dma_start3A_349 = tpu.memref_slice %arg2[%mul3A_343] : memref<4000000xi32, #tpu.memory_space<hbm>> -> memref<8000xi32, #tpu.memory_space<hbm>>
            %dma_start3A_350 = tpu.memref_slice %run_scoped3A_40[%rem3A_341] : memref<2x!tpu.dma_semaphore, #tpu.memory_space<semaphore_mem>> -> memref<1x!tpu.dma_semaphore, #tpu.memory_space<semaphore_mem>>
            %dma_start3A_351 = tpu.memref_squeeze %dma_start3A_350 : memref<1x!tpu.dma_semaphore, #tpu.memory_space<semaphore_mem>> -> memref<!tpu.dma_semaphore, #tpu.memory_space<semaphore_mem>>
            %dma_start3A_352 = tpu.memref_slice %run_scoped3A_39[%add3A_347] : memref<16000xi32, #tpu.memory_space<vmem>> -> memref<8000xi32, #tpu.memory_space<vmem>>
            %dma_start3A_353 = tpu.memref_slice %arg2[%mul3A_343] : memref<4000000xi32, #tpu.memory_space<hbm>> -> memref<8000xi32, #tpu.memory_space<hbm>>
            tpu.enqueue_dma source(%dma_start3A_353 : memref<8000xi32, #tpu.memory_space<hbm>>) target(%dma_start3A_352 : memref<8000xi32, #tpu.memory_space<vmem>>) target_semaphore(%dma_start3A_351 : memref<!tpu.dma_semaphore, #tpu.memory_space<semaphore_mem>>)
            "tpu.trace_stop"() : () -> ()
          } else {
          }
          %and3A_230 = arith.constant true
          %and3A_231 = arith.andi %and3A, %and3A_230 : i1
          %add3A_232 = arith.constant 1 : i32
          %add3A_233 = arith.addi %while3A_182, %add3A_232 : i32
          %select_n3A_234 = arith.select %and3A_231, %add3A_233, %while3A_182 : i32
          %ne3A_235 = arith.cmpi ne, %add3A_194, %add3A_212 : i32
          %or3A_236 = arith.constant false
          %or3A_237 = arith.ori %or3A_236, %ne3A_235 : i1
          %sub3A_238 = arith.constant 2 : i32
          %sub3A_239 = arith.subi %mul3A_188, %sub3A_238 : i32
          %add3A_240 = arith.constant 1 : i32
          %add3A_241 = arith.addi %sub3A_239, %add3A_240 : i32
          %ge3A_242 = arith.cmpi sge, %while3A_181, %add3A_241 : i32
          %not3A_243 = arith.constant true
          %not3A_244 = arith.xori %ge3A_242, %not3A_243 : i1
          %and3A_245 = arith.andi %or3A_237, %not3A_244 : i1
          %convert_element_type3A_246 = arith.extui %and3A_245 : i1 to i32
          %cond3A_247 = arith.constant 0 : i32
          %cond3A_248 = arith.cmpi ne, %convert_element_type3A_246, %cond3A_247 : i32
          scf.if %cond3A_248 {
            "tpu.trace_start"() <{level = 10 : i32, message = "ep_copy_in"}> : () -> ()
            %rem3A_340 = arith.constant 2 : i32
            %rem3A_341 = arith.remui %while3A_184, %rem3A_340 : i32
            %mul3A_342 = arith.constant 8000 : i32
            %mul3A_343 = arith.muli %mul3A_342, %add3A_212 : i32
            %mul3A_344 = arith.constant 8000 : i32
            %mul3A_345 = arith.muli %rem3A_341, %mul3A_344 : i32
            %add3A_346 = arith.constant 0 : i32
            %add3A_347 = arith.addi %mul3A_345, %add3A_346 : i32
            %dma_start3A_348 = tpu.memref_slice %run_scoped3A_41[%add3A_347] : memref<16000xi32, #tpu.memory_space<vmem>> -> memref<8000xi32, #tpu.memory_space<vmem>>
            %dma_start3A_349 = tpu.memref_slice %arg3[%mul3A_343] : memref<4000000xi32, #tpu.memory_space<hbm>> -> memref<8000xi32, #tpu.memory_space<hbm>>
            %dma_start3A_350 = tpu.memref_slice %run_scoped3A_42[%rem3A_341] : memref<2x!tpu.dma_semaphore, #tpu.memory_space<semaphore_mem>> -> memref<1x!tpu.dma_semaphore, #tpu.memory_space<semaphore_mem>>
            %dma_start3A_351 = tpu.memref_squeeze %dma_start3A_350 : memref<1x!tpu.dma_semaphore, #tpu.memory_space<semaphore_mem>> -> memref<!tpu.dma_semaphore, #tpu.memory_space<semaphore_mem>>
            %dma_start3A_352 = tpu.memref_slice %run_scoped3A_41[%add3A_347] : memref<16000xi32, #tpu.memory_space<vmem>> -> memref<8000xi32, #tpu.memory_space<vmem>>
            %dma_start3A_353 = tpu.memref_slice %arg3[%mul3A_343] : memref<4000000xi32, #tpu.memory_space<hbm>> -> memref<8000xi32, #tpu.memory_space<hbm>>
            tpu.enqueue_dma source(%dma_start3A_353 : memref<8000xi32, #tpu.memory_space<hbm>>) target(%dma_start3A_352 : memref<8000xi32, #tpu.memory_space<vmem>>) target_semaphore(%dma_start3A_351 : memref<!tpu.dma_semaphore, #tpu.memory_space<semaphore_mem>>)
            "tpu.trace_stop"() : () -> ()
          } else {
          }
          %and3A_249 = arith.constant true
          %and3A_250 = arith.andi %and3A_245, %and3A_249 : i1
          %add3A_251 = arith.constant 1 : i32
          %add3A_252 = arith.addi %while3A_184, %add3A_251 : i32
          %select_n3A_253 = arith.select %and3A_250, %add3A_252, %while3A_184 : i32
          %ne3A_254 = arith.cmpi ne, %add3A_194, %add3A_204 : i32
          %or3A_255 = arith.constant false
          %or3A_256 = arith.ori %or3A_255, %ne3A_254 : i1
          %or3A_257 = arith.ori %or3A_256, %eq3A_190 : i1
          %convert_element_type3A_258 = arith.extui %or3A_257 : i1 to i32
          %cond3A_259 = arith.constant 0 : i32
          %cond3A_260 = arith.cmpi ne, %convert_element_type3A_258, %cond3A_259 : i32
          scf.if %cond3A_260 {
            "tpu.trace_start"() <{level = 10 : i32, message = "ep_wait_in"}> : () -> ()
            %mul3A_340 = arith.constant 8000 : i32
            %mul3A_341 = arith.muli %mul3A_340, %add3A_194 : i32
            %rem3A_342 = arith.constant 2 : i32
            %rem3A_343 = arith.remui %while3A_183, %rem3A_342 : i32
            %mul3A_344 = arith.constant 8000 : i32
            %mul3A_345 = arith.muli %rem3A_343, %mul3A_344 : i32
            %add3A_346 = arith.constant 0 : i32
            %add3A_347 = arith.addi %mul3A_345, %add3A_346 : i32
            %dma_wait3A = tpu.memref_slice %run_scoped3A_39[%add3A_347] : memref<16000xi32, #tpu.memory_space<vmem>> -> memref<8000xi32, #tpu.memory_space<vmem>>
            %dma_wait3A_348 = tpu.memref_slice %arg2[%mul3A_341] : memref<4000000xi32, #tpu.memory_space<hbm>> -> memref<8000xi32, #tpu.memory_space<hbm>>
            %dma_wait3A_349 = tpu.memref_slice %run_scoped3A_40[%rem3A_343] : memref<2x!tpu.dma_semaphore, #tpu.memory_space<semaphore_mem>> -> memref<1x!tpu.dma_semaphore, #tpu.memory_space<semaphore_mem>>
            %dma_wait3A_350 = tpu.memref_squeeze %dma_wait3A_349 : memref<1x!tpu.dma_semaphore, #tpu.memory_space<semaphore_mem>> -> memref<!tpu.dma_semaphore, #tpu.memory_space<semaphore_mem>>
            %dma_wait3A_351 = tpu.memref_slice %run_scoped3A_39[%add3A_347] : memref<16000xi32, #tpu.memory_space<vmem>> -> memref<8000xi32, #tpu.memory_space<vmem>>
            %dma_wait3A_352 = tpu.memref_slice %arg2[%mul3A_341] : memref<4000000xi32, #tpu.memory_space<hbm>> -> memref<8000xi32, #tpu.memory_space<hbm>>
            tpu.wait_dma2 semaphore(%dma_wait3A_350 : memref<!tpu.dma_semaphore, #tpu.memory_space<semaphore_mem>>) src(%dma_wait3A_352 : memref<8000xi32, #tpu.memory_space<hbm>>) dst(%dma_wait3A_351 : memref<8000xi32, #tpu.memory_space<vmem>>)
            "tpu.trace_stop"() : () -> ()
          } else {
          }
          %ne3A_261 = arith.cmpi ne, %add3A_194, %add3A_204 : i32
          %or3A_262 = arith.constant false
          %or3A_263 = arith.ori %or3A_262, %ne3A_261 : i1
          %or3A_264 = arith.ori %or3A_263, %eq3A_190 : i1
          %convert_element_type3A_265 = arith.extui %or3A_264 : i1 to i32
          %cond3A_266 = arith.constant 0 : i32
          %cond3A_267 = arith.cmpi ne, %convert_element_type3A_265, %cond3A_266 : i32
          scf.if %cond3A_267 {
            "tpu.trace_start"() <{level = 10 : i32, message = "ep_wait_in"}> : () -> ()
            %mul3A_340 = arith.constant 8000 : i32
            %mul3A_341 = arith.muli %mul3A_340, %add3A_194 : i32
            %rem3A_342 = arith.constant 2 : i32
            %rem3A_343 = arith.remui %while3A_185, %rem3A_342 : i32
            %mul3A_344 = arith.constant 8000 : i32
            %mul3A_345 = arith.muli %rem3A_343, %mul3A_344 : i32
            %add3A_346 = arith.constant 0 : i32
            %add3A_347 = arith.addi %mul3A_345, %add3A_346 : i32
            %dma_wait3A = tpu.memref_slice %run_scoped3A_41[%add3A_347] : memref<16000xi32, #tpu.memory_space<vmem>> -> memref<8000xi32, #tpu.memory_space<vmem>>
            %dma_wait3A_348 = tpu.memref_slice %arg3[%mul3A_341] : memref<4000000xi32, #tpu.memory_space<hbm>> -> memref<8000xi32, #tpu.memory_space<hbm>>
            %dma_wait3A_349 = tpu.memref_slice %run_scoped3A_42[%rem3A_343] : memref<2x!tpu.dma_semaphore, #tpu.memory_space<semaphore_mem>> -> memref<1x!tpu.dma_semaphore, #tpu.memory_space<semaphore_mem>>
            %dma_wait3A_350 = tpu.memref_squeeze %dma_wait3A_349 : memref<1x!tpu.dma_semaphore, #tpu.memory_space<semaphore_mem>> -> memref<!tpu.dma_semaphore, #tpu.memory_space<semaphore_mem>>
            %dma_wait3A_351 = tpu.memref_slice %run_scoped3A_41[%add3A_347] : memref<16000xi32, #tpu.memory_space<vmem>> -> memref<8000xi32, #tpu.memory_space<vmem>>
            %dma_wait3A_352 = tpu.memref_slice %arg3[%mul3A_341] : memref<4000000xi32, #tpu.memory_space<hbm>> -> memref<8000xi32, #tpu.memory_space<hbm>>
            tpu.wait_dma2 semaphore(%dma_wait3A_350 : memref<!tpu.dma_semaphore, #tpu.memory_space<semaphore_mem>>) src(%dma_wait3A_352 : memref<8000xi32, #tpu.memory_space<hbm>>) dst(%dma_wait3A_351 : memref<8000xi32, #tpu.memory_space<vmem>>)
            "tpu.trace_stop"() : () -> ()
          } else {
          }
          %rem3A_268 = arith.constant 2 : i32
          %rem3A_269 = arith.remui %while3A_183, %rem3A_268 : i32
          %mul3A_270 = arith.constant 8000 : i32
          %mul3A_271 = arith.muli %rem3A_269, %mul3A_270 : i32
          %rem3A_272 = arith.constant 2 : i32
          %rem3A_273 = arith.remui %while3A_185, %rem3A_272 : i32
          %mul3A_274 = arith.constant 8000 : i32
          %mul3A_275 = arith.muli %rem3A_273, %mul3A_274 : i32
          %parallel_loop3A_276 = arith.constant 0 : i32
          %parallel_loop3A_277 = arith.constant 8000 : i32
          %parallel_loop3A_278 = arith.constant 16 : i32
          "tpu.trace_start"() <{level = 10 : i32, message = "ep_run_kernel"}> : () -> ()
          scf.for %parallel_loop3A_340 = %parallel_loop3A_276 to %parallel_loop3A_277 step %parallel_loop3A_278  : i32 {
            %parallel_loop3A_341 = tpu.memref_slice %run_scoped3A_39[%mul3A_271] : memref<16000xi32, #tpu.memory_space<vmem>> -> memref<8000xi32, #tpu.memory_space<vmem>>
            %parallel_loop3A_342 = arith.index_cast %parallel_loop3A_340 : i32 to index
            %parallel_loop3A_343 = tpu.vector_load %parallel_loop3A_341[%parallel_loop3A_342] {strides = array<i32>} : memref<8000xi32, #tpu.memory_space<vmem>>, vector<16xi32>,
            %parallel_loop3A_344 = tpu.memref_slice %run_scoped3A_41[%mul3A_275] : memref<16000xi32, #tpu.memory_space<vmem>> -> memref<8000xi32, #tpu.memory_space<vmem>>
            %parallel_loop3A_345 = arith.index_cast %parallel_loop3A_340 : i32 to index
            %parallel_loop3A_346 = tpu.vector_load %parallel_loop3A_344[%parallel_loop3A_345] {strides = array<i32>} : memref<8000xi32, #tpu.memory_space<vmem>>, vector<16xi32>,
            %parallel_loop3A_347 = arith.cmpi eq, %parallel_loop3A_343, %parallel_loop3A_346 : vector<16xi32>
            %parallel_loop3A_348 = arith.extui %parallel_loop3A_347 : vector<16xi1> to vector<16xi32>
            %parallel_loop3A_349 = arith.addi %mul3A_7, %parallel_loop3A_343 : vector<16xi32>
            %parallel_loop3A_350 = arith.constant 1024 : i32
            %parallel_loop3A_351 = vector.broadcast %parallel_loop3A_350 : i32 to vector<16xi32>
            %parallel_loop3A_352 = arith.muli %parallel_loop3A_348, %parallel_loop3A_351 : vector<16xi32>
            %parallel_loop3A_353 = arith.addi %parallel_loop3A_349, %parallel_loop3A_352 : vector<16xi32>
            %parallel_loop3A_354 = arith.addi %mul3A_10, %parallel_loop3A_346 : vector<16xi32>
            tpu.vector_store_idx %arg5[%parallel_loop3A_353], %broadcast_in_dim3A_12 {add = true} : memref<32768xi32, #tpu.memory_space<vmem>>[vector<16xi32>], vector<16xi32>,
            tpu.vector_store_idx %arg6[%parallel_loop3A_354], %broadcast_in_dim3A_12 {add = true} : memref<16384xi32, #tpu.memory_space<vmem>>[vector<16xi32>], vector<16xi32>,
          } {sc.loop_unroll_factor = 8 : i64, sc.parallel_access}
          "tpu.trace_stop"() : () -> ()
          %ne3A_279 = arith.cmpi ne, %add3A_194, %add3A_212 : i32
          %or3A_280 = arith.constant false
          %or3A_281 = arith.ori %or3A_280, %ne3A_279 : i1
          %or3A_282 = arith.ori %or3A_281, %eq3A_193 : i1
          %convert_element_type3A_283 = arith.extui %or3A_282 : i1 to i32
          %cond3A_284 = arith.constant 0 : i32
          %cond3A_285 = arith.cmpi ne, %convert_element_type3A_283, %cond3A_284 : i32
          scf.if %cond3A_285 {
          } else {
          }
          %and3A_286 = arith.constant false
          %and3A_287 = arith.andi %or3A_282, %and3A_286 : i1
          %ne3A_288 = arith.cmpi ne, %add3A_194, %add3A_212 : i32
          %or3A_289 = arith.constant false
          %or3A_290 = arith.ori %or3A_289, %ne3A_288 : i1
          %or3A_291 = arith.ori %or3A_290, %eq3A_193 : i1
          %convert_element_type3A_292 = arith.extui %or3A_291 : i1 to i32
          %cond3A_293 = arith.constant 0 : i32
          %cond3A_294 = arith.cmpi ne, %convert_element_type3A_292, %cond3A_293 : i32
          scf.if %cond3A_294 {
          } else {
          }
          %and3A_295 = arith.constant false
          %and3A_296 = arith.andi %or3A_291, %and3A_295 : i1
          %ne3A_297 = arith.cmpi ne, %add3A_194, %add3A_204 : i32
          %or3A_298 = arith.constant false
          %or3A_299 = arith.ori %or3A_298, %ne3A_297 : i1
          %not3A_300 = arith.constant true
          %not3A_301 = arith.xori %eq3A_190, %not3A_300 : i1
          %and3A_302 = arith.andi %or3A_299, %not3A_301 : i1
          %convert_element_type3A_303 = arith.extui %and3A_302 : i1 to i32
          %cond3A_304 = arith.constant 0 : i32
          %cond3A_305 = arith.cmpi ne, %convert_element_type3A_303, %cond3A_304 : i32
          scf.if %cond3A_305 {
          } else {
          }
          %and3A_306 = arith.constant false
          %and3A_307 = arith.andi %and3A_302, %and3A_306 : i1
          %ne3A_308 = arith.cmpi ne, %add3A_194, %add3A_204 : i32
          %or3A_309 = arith.constant false
          %or3A_310 = arith.ori %or3A_309, %ne3A_308 : i1
          %not3A_311 = arith.constant true
          %not3A_312 = arith.xori %eq3A_190, %not3A_311 : i1
          %and3A_313 = arith.andi %or3A_310, %not3A_312 : i1
          %convert_element_type3A_314 = arith.extui %and3A_313 : i1 to i32
          %cond3A_315 = arith.constant 0 : i32
          %cond3A_316 = arith.cmpi ne, %convert_element_type3A_314, %cond3A_315 : i32
          scf.if %cond3A_316 {
          } else {
          }
          %and3A_317 = arith.constant false
          %and3A_318 = arith.andi %and3A_313, %and3A_317 : i1
          %ne3A_319 = arith.cmpi ne, %add3A_194, %add3A_212 : i32
          %or3A_320 = arith.constant false
          %or3A_321 = arith.ori %or3A_320, %ne3A_319 : i1
          %or3A_322 = arith.ori %or3A_321, %eq3A_193 : i1
          %add3A_323 = arith.constant 1 : i32
          %add3A_324 = arith.addi %while3A_183, %add3A_323 : i32
          %select_n3A_325 = arith.select %or3A_322, %add3A_324, %while3A_183 : i32
          %ne3A_326 = arith.cmpi ne, %add3A_194, %add3A_212 : i32
          %or3A_327 = arith.constant false
          %or3A_328 = arith.ori %or3A_327, %ne3A_326 : i1
          %or3A_329 = arith.ori %or3A_328, %eq3A_193 : i1
          %add3A_330 = arith.constant 1 : i32
          %add3A_331 = arith.addi %while3A_185, %add3A_330 : i32
          %select_n3A_332 = arith.select %or3A_329, %add3A_331, %while3A_185 : i32
          %add3A_333 = arith.constant 1 : i32
          %add3A_334 = arith.addi %while3A_186, %add3A_333 : i32
          %select_n3A_335 = arith.constant true
          %select_n3A_336 = arith.select %select_n3A_335, %add3A_334, %while3A_186 : i32
          %eq3A_337 = arith.cmpi eq, %select_n3A_336, %select_n3A : i32
          %select_n3A_338 = arith.constant 0 : i32
          %select_n3A_339 = arith.select %eq3A_337, %select_n3A_338, %select_n3A_336 : i32
          scf.yield %select_n3A_234, %select_n3A_325, %select_n3A_253, %select_n3A_332, %select_n3A_339 : i32, i32, i32, i32, i32
        }
        %sub3A_130 = arith.constant 1 : i32
        %sub3A_131 = arith.subi %while3A_129#4, %sub3A_130 : i32
        %select_n3A_132 = arith.constant true
        %select_n3A_133 = arith.select %select_n3A_132, %sub3A_131, %while3A_129#4 : i32
        %eq3A_134 = arith.constant -1 : i32
        %eq3A_135 = arith.cmpi eq, %select_n3A_133, %eq3A_134 : i32
        %sub3A_136 = arith.constant 1 : i32
        %sub3A_137 = arith.subi %select_n3A, %sub3A_136 : i32
        %select_n3A_138 = arith.select %eq3A_135, %sub3A_137, %select_n3A_133 : i32
        %sub3A_139 = arith.constant 1 : i32
        %sub3A_140 = arith.subi %mul3A_30, %sub3A_139 : i32
        %mul3A_141 = arith.constant 1 : i32
        %mul3A_142 = arith.muli %mul3A_141, %select_n3A : i32
        %eq3A_143 = arith.constant 0 : i32
        %eq3A_144 = arith.cmpi eq, %sub3A_140, %eq3A_143 : i32
        %sub3A_145 = arith.constant 1 : i32
        %sub3A_146 = arith.subi %mul3A_142, %sub3A_145 : i32
        %eq3A_147 = arith.cmpi eq, %sub3A_140, %sub3A_146 : i32
        %add3A_148 = arith.addi %select_n3A_138, %select_n3A_28 : i32
        %sub3A_149 = arith.constant 1 : i32
        %sub3A_150 = arith.subi %select_n3A_138, %sub3A_149 : i32
        %select_n3A_151 = arith.constant true
        %select_n3A_152 = arith.select %select_n3A_151, %sub3A_150, %select_n3A_138 : i32
        %eq3A_153 = arith.constant -1 : i32
        %eq3A_154 = arith.cmpi eq, %select_n3A_152, %eq3A_153 : i32
        %sub3A_155 = arith.constant 1 : i32
        %sub3A_156 = arith.subi %select_n3A, %sub3A_155 : i32
        %select_n3A_157 = arith.select %eq3A_154, %sub3A_156, %select_n3A_152 : i32
        %add3A_158 = arith.addi %select_n3A_157, %select_n3A_28 : i32
        %add3A_159 = arith.constant 1 : i32
        %add3A_160 = arith.addi %select_n3A_138, %add3A_159 : i32
        %select_n3A_161 = arith.constant true
        %select_n3A_162 = arith.select %select_n3A_161, %add3A_160, %select_n3A_138 : i32
        %eq3A_163 = arith.cmpi eq, %select_n3A_162, %select_n3A : i32
        %select_n3A_164 = arith.constant 0 : i32
        %select_n3A_165 = arith.select %eq3A_163, %select_n3A_164, %select_n3A_162 : i32
        %add3A_166 = arith.addi %select_n3A_165, %select_n3A_28 : i32
        %add3A_167 = arith.constant 1 : i32
        %add3A_168 = arith.addi %select_n3A_165, %add3A_167 : i32
        %select_n3A_169 = arith.constant true
        %select_n3A_170 = arith.select %select_n3A_169, %add3A_168, %select_n3A_165 : i32
        %eq3A_171 = arith.cmpi eq, %select_n3A_170, %select_n3A : i32
        %select_n3A_172 = arith.constant 0 : i32
        %select_n3A_173 = arith.select %eq3A_171, %select_n3A_172, %select_n3A_170 : i32
        %add3A_174 = arith.addi %select_n3A_173, %select_n3A_28 : i32
        %convert_element_type3A_175 = arith.extui %eq3A_147 : i1 to i32
        %cond3A_176 = arith.constant 0 : i32
        %cond3A_177 = arith.cmpi ne, %convert_element_type3A_175, %cond3A_176 : i32
        scf.if %cond3A_177 {
        } else {
        }
        %convert_element_type3A_178 = arith.extui %eq3A_147 : i1 to i32
        %cond3A_179 = arith.constant 0 : i32
        %cond3A_180 = arith.cmpi ne, %convert_element_type3A_178, %cond3A_179 : i32
        scf.if %cond3A_180 {
        } else {
        }
      } else {
      }
      tpu.yield
    }) : () -> ()
    %parallel_loop3A_31 = arith.constant 0 : i32
    %parallel_loop3A_32 = arith.constant 1024 : i32
    %parallel_loop3A_33 = arith.constant 16 : i32
    scf.for %parallel_loop3A_39 = %parallel_loop3A_31 to %parallel_loop3A_32 step %parallel_loop3A_33  : i32 {
      %parallel_loop3A_40 = arith.constant 0 : i32
      %parallel_loop3A_41 = vector.broadcast %parallel_loop3A_40 : i32 to vector<16xi32>
      %parallel_loop3A_42 = arith.constant 0 : i32
      %parallel_loop3A_43 = vector.broadcast %parallel_loop3A_42 : i32 to vector<16xi32>
      %parallel_loop3A_44 = arith.constant 0 : i32
      %parallel_loop3A_45 = vector.broadcast %parallel_loop3A_44 : i32 to vector<16xi32>
      %parallel_loop3A_46 = arith.constant 0 : i32
      %parallel_loop3A_47 = arith.addi %parallel_loop3A_46, %parallel_loop3A_39 : i32
      %parallel_loop3A_48 = arith.index_cast %parallel_loop3A_47 : i32 to index
      %parallel_loop3A_49 = tpu.vector_load %arg5[%parallel_loop3A_48] {strides = array<i32>} : memref<32768xi32, #tpu.memory_space<vmem>>, vector<16xi32>,
      %parallel_loop3A_50 = arith.addi %parallel_loop3A_41, %parallel_loop3A_49 : vector<16xi32>
      %parallel_loop3A_51 = arith.constant 1024 : i32
      %parallel_loop3A_52 = arith.addi %parallel_loop3A_51, %parallel_loop3A_39 : i32
      %parallel_loop3A_53 = arith.index_cast %parallel_loop3A_52 : i32 to index
      %parallel_loop3A_54 = tpu.vector_load %arg5[%parallel_loop3A_53] {strides = array<i32>} : memref<32768xi32, #tpu.memory_space<vmem>>, vector<16xi32>,
      %parallel_loop3A_55 = arith.addi %parallel_loop3A_43, %parallel_loop3A_54 : vector<16xi32>
      %parallel_loop3A_56 = arith.constant 0 : i32
      %parallel_loop3A_57 = arith.addi %parallel_loop3A_56, %parallel_loop3A_39 : i32
      %parallel_loop3A_58 = arith.index_cast %parallel_loop3A_57 : i32 to index
      %parallel_loop3A_59 = tpu.vector_load %arg6[%parallel_loop3A_58] {strides = array<i32>} : memref<16384xi32, #tpu.memory_space<vmem>>, vector<16xi32>,
      %parallel_loop3A_60 = arith.addi %parallel_loop3A_45, %parallel_loop3A_59 : vector<16xi32>
      %parallel_loop3A_61 = arith.constant 2048 : i32
      %parallel_loop3A_62 = arith.addi %parallel_loop3A_61, %parallel_loop3A_39 : i32
      %parallel_loop3A_63 = arith.index_cast %parallel_loop3A_62 : i32 to index
      %parallel_loop3A_64 = tpu.vector_load %arg5[%parallel_loop3A_63] {strides = array<i32>} : memref<32768xi32, #tpu.memory_space<vmem>>, vector<16xi32>,
      %parallel_loop3A_65 = arith.addi %parallel_loop3A_50, %parallel_loop3A_64 : vector<16xi32>
      %parallel_loop3A_66 = arith.constant 3072 : i32
      %parallel_loop3A_67 = arith.addi %parallel_loop3A_66, %parallel_loop3A_39 : i32
      %parallel_loop3A_68 = arith.index_cast %parallel_loop3A_67 : i32 to index
      %parallel_loop3A_69 = tpu.vector_load %arg5[%parallel_loop3A_68] {strides = array<i32>} : memref<32768xi32, #tpu.memory_space<vmem>>, vector<16xi32>,
      %parallel_loop3A_70 = arith.addi %parallel_loop3A_55, %parallel_loop3A_69 : vector<16xi32>
      %parallel_loop3A_71 = arith.constant 1024 : i32
      %parallel_loop3A_72 = arith.addi %parallel_loop3A_71, %parallel_loop3A_39 : i32
      %parallel_loop3A_73 = arith.index_cast %parallel_loop3A_72 : i32 to index
      %parallel_loop3A_74 = tpu.vector_load %arg6[%parallel_loop3A_73] {strides = array<i32>} : memref<16384xi32, #tpu.memory_space<vmem>>, vector<16xi32>,
      %parallel_loop3A_75 = arith.addi %parallel_loop3A_60, %parallel_loop3A_74 : vector<16xi32>
      %parallel_loop3A_76 = arith.constant 4096 : i32
      %parallel_loop3A_77 = arith.addi %parallel_loop3A_76, %parallel_loop3A_39 : i32
      %parallel_loop3A_78 = arith.index_cast %parallel_loop3A_77 : i32 to index
      %parallel_loop3A_79 = tpu.vector_load %arg5[%parallel_loop3A_78] {strides = array<i32>} : memref<32768xi32, #tpu.memory_space<vmem>>, vector<16xi32>,
      %parallel_loop3A_80 = arith.addi %parallel_loop3A_65, %parallel_loop3A_79 : vector<16xi32>
      %parallel_loop3A_81 = arith.constant 5120 : i32
      %parallel_loop3A_82 = arith.addi %parallel_loop3A_81, %parallel_loop3A_39 : i32
      %parallel_loop3A_83 = arith.index_cast %parallel_loop3A_82 : i32 to index
      %parallel_loop3A_84 = tpu.vector_load %arg5[%parallel_loop3A_83] {strides = array<i32>} : memref<32768xi32, #tpu.memory_space<vmem>>, vector<16xi32>,
      %parallel_loop3A_85 = arith.addi %parallel_loop3A_70, %parallel_loop3A_84 : vector<16xi32>
      %parallel_loop3A_86 = arith.constant 2048 : i32
      %parallel_loop3A_87 = arith.addi %parallel_loop3A_86, %parallel_loop3A_39 : i32
      %parallel_loop3A_88 = arith.index_cast %parallel_loop3A_87 : i32 to index
      %parallel_loop3A_89 = tpu.vector_load %arg6[%parallel_loop3A_88] {strides = array<i32>} : memref<16384xi32, #tpu.memory_space<vmem>>, vector<16xi32>,
      %parallel_loop3A_90 = arith.addi %parallel_loop3A_75, %parallel_loop3A_89 : vector<16xi32>
      %parallel_loop3A_91 = arith.constant 6144 : i32
      %parallel_loop3A_92 = arith.addi %parallel_loop3A_91, %parallel_loop3A_39 : i32
      %parallel_loop3A_93 = arith.index_cast %parallel_loop3A_92 : i32 to index
      %parallel_loop3A_94 = tpu.vector_load %arg5[%parallel_loop3A_93] {strides = array<i32>} : memref<32768xi32, #tpu.memory_space<vmem>>, vector<16xi32>,
      %parallel_loop3A_95 = arith.addi %parallel_loop3A_80, %parallel_loop3A_94 : vector<16xi32>
      %parallel_loop3A_96 = arith.constant 7168 : i32
      %parallel_loop3A_97 = arith.addi %parallel_loop3A_96, %parallel_loop3A_39 : i32
      %parallel_loop3A_98 = arith.index_cast %parallel_loop3A_97 : i32 to index
      %parallel_loop3A_99 = tpu.vector_load %arg5[%parallel_loop3A_98] {strides = array<i32>} : memref<32768xi32, #tpu.memory_space<vmem>>, vector<16xi32>,
      %parallel_loop3A_100 = arith.addi %parallel_loop3A_85, %parallel_loop3A_99 : vector<16xi32>
      %parallel_loop3A_101 = arith.constant 3072 : i32
      %parallel_loop3A_102 = arith.addi %parallel_loop3A_101, %parallel_loop3A_39 : i32
      %parallel_loop3A_103 = arith.index_cast %parallel_loop3A_102 : i32 to index
      %parallel_loop3A_104 = tpu.vector_load %arg6[%parallel_loop3A_103] {strides = array<i32>} : memref<16384xi32, #tpu.memory_space<vmem>>, vector<16xi32>,
      %parallel_loop3A_105 = arith.addi %parallel_loop3A_90, %parallel_loop3A_104 : vector<16xi32>
      %parallel_loop3A_106 = arith.constant 8192 : i32
      %parallel_loop3A_107 = arith.addi %parallel_loop3A_106, %parallel_loop3A_39 : i32
      %parallel_loop3A_108 = arith.index_cast %parallel_loop3A_107 : i32 to index
      %parallel_loop3A_109 = tpu.vector_load %arg5[%parallel_loop3A_108] {strides = array<i32>} : memref<32768xi32, #tpu.memory_space<vmem>>, vector<16xi32>,
      %parallel_loop3A_110 = arith.addi %parallel_loop3A_95, %parallel_loop3A_109 : vector<16xi32>
      %parallel_loop3A_111 = arith.constant 9216 : i32
      %parallel_loop3A_112 = arith.addi %parallel_loop3A_111, %parallel_loop3A_39 : i32
      %parallel_loop3A_113 = arith.index_cast %parallel_loop3A_112 : i32 to index
      %parallel_loop3A_114 = tpu.vector_load %arg5[%parallel_loop3A_113] {strides = array<i32>} : memref<32768xi32, #tpu.memory_space<vmem>>, vector<16xi32>,
      %parallel_loop3A_115 = arith.addi %parallel_loop3A_100, %parallel_loop3A_114 : vector<16xi32>
      %parallel_loop3A_116 = arith.constant 4096 : i32
      %parallel_loop3A_117 = arith.addi %parallel_loop3A_116, %parallel_loop3A_39 : i32
      %parallel_loop3A_118 = arith.index_cast %parallel_loop3A_117 : i32 to index
      %parallel_loop3A_119 = tpu.vector_load %arg6[%parallel_loop3A_118] {strides = array<i32>} : memref<16384xi32, #tpu.memory_space<vmem>>, vector<16xi32>,
      %parallel_loop3A_120 = arith.addi %parallel_loop3A_105, %parallel_loop3A_119 : vector<16xi32>
      %parallel_loop3A_121 = arith.constant 10240 : i32
      %parallel_loop3A_122 = arith.addi %parallel_loop3A_121, %parallel_loop3A_39 : i32
      %parallel_loop3A_123 = arith.index_cast %parallel_loop3A_122 : i32 to index
      %parallel_loop3A_124 = tpu.vector_load %arg5[%parallel_loop3A_123] {strides = array<i32>} : memref<32768xi32, #tpu.memory_space<vmem>>, vector<16xi32>,
      %parallel_loop3A_125 = arith.addi %parallel_loop3A_110, %parallel_loop3A_124 : vector<16xi32>
      %parallel_loop3A_126 = arith.constant 11264 : i32
      %parallel_loop3A_127 = arith.addi %parallel_loop3A_126, %parallel_loop3A_39 : i32
      %parallel_loop3A_128 = arith.index_cast %parallel_loop3A_127 : i32 to index
      %parallel_loop3A_129 = tpu.vector_load %arg5[%parallel_loop3A_128] {strides = array<i32>} : memref<32768xi32, #tpu.memory_space<vmem>>, vector<16xi32>,
      %parallel_loop3A_130 = arith.addi %parallel_loop3A_115, %parallel_loop3A_129 : vector<16xi32>
      %parallel_loop3A_131 = arith.constant 5120 : i32
      %parallel_loop3A_132 = arith.addi %parallel_loop3A_131, %parallel_loop3A_39 : i32
      %parallel_loop3A_133 = arith.index_cast %parallel_loop3A_132 : i32 to index
      %parallel_loop3A_134 = tpu.vector_load %arg6[%parallel_loop3A_133] {strides = array<i32>} : memref<16384xi32, #tpu.memory_space<vmem>>, vector<16xi32>,
      %parallel_loop3A_135 = arith.addi %parallel_loop3A_120, %parallel_loop3A_134 : vector<16xi32>
      %parallel_loop3A_136 = arith.constant 12288 : i32
      %parallel_loop3A_137 = arith.addi %parallel_loop3A_136, %parallel_loop3A_39 : i32
      %parallel_loop3A_138 = arith.index_cast %parallel_loop3A_137 : i32 to index
      %parallel_loop3A_139 = tpu.vector_load %arg5[%parallel_loop3A_138] {strides = array<i32>} : memref<32768xi32, #tpu.memory_space<vmem>>, vector<16xi32>,
      %parallel_loop3A_140 = arith.addi %parallel_loop3A_125, %parallel_loop3A_139 : vector<16xi32>
      %parallel_loop3A_141 = arith.constant 13312 : i32
      %parallel_loop3A_142 = arith.addi %parallel_loop3A_141, %parallel_loop3A_39 : i32
      %parallel_loop3A_143 = arith.index_cast %parallel_loop3A_142 : i32 to index
      %parallel_loop3A_144 = tpu.vector_load %arg5[%parallel_loop3A_143] {strides = array<i32>} : memref<32768xi32, #tpu.memory_space<vmem>>, vector<16xi32>,
      %parallel_loop3A_145 = arith.addi %parallel_loop3A_130, %parallel_loop3A_144 : vector<16xi32>
      %parallel_loop3A_146 = arith.constant 6144 : i32
      %parallel_loop3A_147 = arith.addi %parallel_loop3A_146, %parallel_loop3A_39 : i32
      %parallel_loop3A_148 = arith.index_cast %parallel_loop3A_147 : i32 to index
      %parallel_loop3A_149 = tpu.vector_load %arg6[%parallel_loop3A_148] {strides = array<i32>} : memref<16384xi32, #tpu.memory_space<vmem>>, vector<16xi32>,
      %parallel_loop3A_150 = arith.addi %parallel_loop3A_135, %parallel_loop3A_149 : vector<16xi32>
      %parallel_loop3A_151 = arith.constant 14336 : i32
      %parallel_loop3A_152 = arith.addi %parallel_loop3A_151, %parallel_loop3A_39 : i32
      %parallel_loop3A_153 = arith.index_cast %parallel_loop3A_152 : i32 to index
      %parallel_loop3A_154 = tpu.vector_load %arg5[%parallel_loop3A_153] {strides = array<i32>} : memref<32768xi32, #tpu.memory_space<vmem>>, vector<16xi32>,
      %parallel_loop3A_155 = arith.addi %parallel_loop3A_140, %parallel_loop3A_154 : vector<16xi32>
      %parallel_loop3A_156 = arith.constant 15360 : i32
      %parallel_loop3A_157 = arith.addi %parallel_loop3A_156, %parallel_loop3A_39 : i32
      %parallel_loop3A_158 = arith.index_cast %parallel_loop3A_157 : i32 to index
      %parallel_loop3A_159 = tpu.vector_load %arg5[%parallel_loop3A_158] {strides = array<i32>} : memref<32768xi32, #tpu.memory_space<vmem>>, vector<16xi32>,
      %parallel_loop3A_160 = arith.addi %parallel_loop3A_145, %parallel_loop3A_159 : vector<16xi32>
      %parallel_loop3A_161 = arith.constant 7168 : i32
      %parallel_loop3A_162 = arith.addi %parallel_loop3A_161, %parallel_loop3A_39 : i32
      %parallel_loop3A_163 = arith.index_cast %parallel_loop3A_162 : i32 to index
      %parallel_loop3A_164 = tpu.vector_load %arg6[%parallel_loop3A_163] {strides = array<i32>} : memref<16384xi32, #tpu.memory_space<vmem>>, vector<16xi32>,
      %parallel_loop3A_165 = arith.addi %parallel_loop3A_150, %parallel_loop3A_164 : vector<16xi32>
      %parallel_loop3A_166 = arith.constant 16384 : i32
      %parallel_loop3A_167 = arith.addi %parallel_loop3A_166, %parallel_loop3A_39 : i32
      %parallel_loop3A_168 = arith.index_cast %parallel_loop3A_167 : i32 to index
      %parallel_loop3A_169 = tpu.vector_load %arg5[%parallel_loop3A_168] {strides = array<i32>} : memref<32768xi32, #tpu.memory_space<vmem>>, vector<16xi32>,
      %parallel_loop3A_170 = arith.addi %parallel_loop3A_155, %parallel_loop3A_169 : vector<16xi32>
      %parallel_loop3A_171 = arith.constant 17408 : i32
      %parallel_loop3A_172 = arith.addi %parallel_loop3A_171, %parallel_loop3A_39 : i32
      %parallel_loop3A_173 = arith.index_cast %parallel_loop3A_172 : i32 to index
      %parallel_loop3A_174 = tpu.vector_load %arg5[%parallel_loop3A_173] {strides = array<i32>} : memref<32768xi32, #tpu.memory_space<vmem>>, vector<16xi32>,
      %parallel_loop3A_175 = arith.addi %parallel_loop3A_160, %parallel_loop3A_174 : vector<16xi32>
      %parallel_loop3A_176 = arith.constant 8192 : i32
      %parallel_loop3A_177 = arith.addi %parallel_loop3A_176, %parallel_loop3A_39 : i32
      %parallel_loop3A_178 = arith.index_cast %parallel_loop3A_177 : i32 to index
      %parallel_loop3A_179 = tpu.vector_load %arg6[%parallel_loop3A_178] {strides = array<i32>} : memref<16384xi32, #tpu.memory_space<vmem>>, vector<16xi32>,
      %parallel_loop3A_180 = arith.addi %parallel_loop3A_165, %parallel_loop3A_179 : vector<16xi32>
      %parallel_loop3A_181 = arith.constant 18432 : i32
      %parallel_loop3A_182 = arith.addi %parallel_loop3A_181, %parallel_loop3A_39 : i32
      %parallel_loop3A_183 = arith.index_cast %parallel_loop3A_182 : i32 to index
      %parallel_loop3A_184 = tpu.vector_load %arg5[%parallel_loop3A_183] {strides = array<i32>} : memref<32768xi32, #tpu.memory_space<vmem>>, vector<16xi32>,
      %parallel_loop3A_185 = arith.addi %parallel_loop3A_170, %parallel_loop3A_184 : vector<16xi32>
      %parallel_loop3A_186 = arith.constant 19456 : i32
      %parallel_loop3A_187 = arith.addi %parallel_loop3A_186, %parallel_loop3A_39 : i32
      %parallel_loop3A_188 = arith.index_cast %parallel_loop3A_187 : i32 to index
      %parallel_loop3A_189 = tpu.vector_load %arg5[%parallel_loop3A_188] {strides = array<i32>} : memref<32768xi32, #tpu.memory_space<vmem>>, vector<16xi32>,
      %parallel_loop3A_190 = arith.addi %parallel_loop3A_175, %parallel_loop3A_189 : vector<16xi32>
      %parallel_loop3A_191 = arith.constant 9216 : i32
      %parallel_loop3A_192 = arith.addi %parallel_loop3A_191, %parallel_loop3A_39 : i32
      %parallel_loop3A_193 = arith.index_cast %parallel_loop3A_192 : i32 to index
      %parallel_loop3A_194 = tpu.vector_load %arg6[%parallel_loop3A_193] {strides = array<i32>} : memref<16384xi32, #tpu.memory_space<vmem>>, vector<16xi32>,
      %parallel_loop3A_195 = arith.addi %parallel_loop3A_180, %parallel_loop3A_194 : vector<16xi32>
      %parallel_loop3A_196 = arith.constant 20480 : i32
      %parallel_loop3A_197 = arith.addi %parallel_loop3A_196, %parallel_loop3A_39 : i32
      %parallel_loop3A_198 = arith.index_cast %parallel_loop3A_197 : i32 to index
      %parallel_loop3A_199 = tpu.vector_load %arg5[%parallel_loop3A_198] {strides = array<i32>} : memref<32768xi32, #tpu.memory_space<vmem>>, vector<16xi32>,
      %parallel_loop3A_200 = arith.addi %parallel_loop3A_185, %parallel_loop3A_199 : vector<16xi32>
      %parallel_loop3A_201 = arith.constant 21504 : i32
      %parallel_loop3A_202 = arith.addi %parallel_loop3A_201, %parallel_loop3A_39 : i32
      %parallel_loop3A_203 = arith.index_cast %parallel_loop3A_202 : i32 to index
      %parallel_loop3A_204 = tpu.vector_load %arg5[%parallel_loop3A_203] {strides = array<i32>} : memref<32768xi32, #tpu.memory_space<vmem>>, vector<16xi32>,
      %parallel_loop3A_205 = arith.addi %parallel_loop3A_190, %parallel_loop3A_204 : vector<16xi32>
      %parallel_loop3A_206 = arith.constant 10240 : i32
      %parallel_loop3A_207 = arith.addi %parallel_loop3A_206, %parallel_loop3A_39 : i32
      %parallel_loop3A_208 = arith.index_cast %parallel_loop3A_207 : i32 to index
      %parallel_loop3A_209 = tpu.vector_load %arg6[%parallel_loop3A_208] {strides = array<i32>} : memref<16384xi32, #tpu.memory_space<vmem>>, vector<16xi32>,
      %parallel_loop3A_210 = arith.addi %parallel_loop3A_195, %parallel_loop3A_209 : vector<16xi32>
      %parallel_loop3A_211 = arith.constant 22528 : i32
      %parallel_loop3A_212 = arith.addi %parallel_loop3A_211, %parallel_loop3A_39 : i32
      %parallel_loop3A_213 = arith.index_cast %parallel_loop3A_212 : i32 to index
      %parallel_loop3A_214 = tpu.vector_load %arg5[%parallel_loop3A_213] {strides = array<i32>} : memref<32768xi32, #tpu.memory_space<vmem>>, vector<16xi32>,
      %parallel_loop3A_215 = arith.addi %parallel_loop3A_200, %parallel_loop3A_214 : vector<16xi32>
      %parallel_loop3A_216 = arith.constant 23552 : i32
      %parallel_loop3A_217 = arith.addi %parallel_loop3A_216, %parallel_loop3A_39 : i32
      %parallel_loop3A_218 = arith.index_cast %parallel_loop3A_217 : i32 to index
      %parallel_loop3A_219 = tpu.vector_load %arg5[%parallel_loop3A_218] {strides = array<i32>} : memref<32768xi32, #tpu.memory_space<vmem>>, vector<16xi32>,
      %parallel_loop3A_220 = arith.addi %parallel_loop3A_205, %parallel_loop3A_219 : vector<16xi32>
      %parallel_loop3A_221 = arith.constant 11264 : i32
      %parallel_loop3A_222 = arith.addi %parallel_loop3A_221, %parallel_loop3A_39 : i32
      %parallel_loop3A_223 = arith.index_cast %parallel_loop3A_222 : i32 to index
      %parallel_loop3A_224 = tpu.vector_load %arg6[%parallel_loop3A_223] {strides = array<i32>} : memref<16384xi32, #tpu.memory_space<vmem>>, vector<16xi32>,
      %parallel_loop3A_225 = arith.addi %parallel_loop3A_210, %parallel_loop3A_224 : vector<16xi32>
      %parallel_loop3A_226 = arith.constant 24576 : i32
      %parallel_loop3A_227 = arith.addi %parallel_loop3A_226, %parallel_loop3A_39 : i32
      %parallel_loop3A_228 = arith.index_cast %parallel_loop3A_227 : i32 to index
      %parallel_loop3A_229 = tpu.vector_load %arg5[%parallel_loop3A_228] {strides = array<i32>} : memref<32768xi32, #tpu.memory_space<vmem>>, vector<16xi32>,
      %parallel_loop3A_230 = arith.addi %parallel_loop3A_215, %parallel_loop3A_229 : vector<16xi32>
      %parallel_loop3A_231 = arith.constant 25600 : i32
      %parallel_loop3A_232 = arith.addi %parallel_loop3A_231, %parallel_loop3A_39 : i32
      %parallel_loop3A_233 = arith.index_cast %parallel_loop3A_232 : i32 to index
      %parallel_loop3A_234 = tpu.vector_load %arg5[%parallel_loop3A_233] {strides = array<i32>} : memref<32768xi32, #tpu.memory_space<vmem>>, vector<16xi32>,
      %parallel_loop3A_235 = arith.addi %parallel_loop3A_220, %parallel_loop3A_234 : vector<16xi32>
      %parallel_loop3A_236 = arith.constant 12288 : i32
      %parallel_loop3A_237 = arith.addi %parallel_loop3A_236, %parallel_loop3A_39 : i32
      %parallel_loop3A_238 = arith.index_cast %parallel_loop3A_237 : i32 to index
      %parallel_loop3A_239 = tpu.vector_load %arg6[%parallel_loop3A_238] {strides = array<i32>} : memref<16384xi32, #tpu.memory_space<vmem>>, vector<16xi32>,
      %parallel_loop3A_240 = arith.addi %parallel_loop3A_225, %parallel_loop3A_239 : vector<16xi32>
      %parallel_loop3A_241 = arith.constant 26624 : i32
      %parallel_loop3A_242 = arith.addi %parallel_loop3A_241, %parallel_loop3A_39 : i32
      %parallel_loop3A_243 = arith.index_cast %parallel_loop3A_242 : i32 to index
      %parallel_loop3A_244 = tpu.vector_load %arg5[%parallel_loop3A_243] {strides = array<i32>} : memref<32768xi32, #tpu.memory_space<vmem>>, vector<16xi32>,
      %parallel_loop3A_245 = arith.addi %parallel_loop3A_230, %parallel_loop3A_244 : vector<16xi32>
      %parallel_loop3A_246 = arith.constant 27648 : i32
      %parallel_loop3A_247 = arith.addi %parallel_loop3A_246, %parallel_loop3A_39 : i32
      %parallel_loop3A_248 = arith.index_cast %parallel_loop3A_247 : i32 to index
      %parallel_loop3A_249 = tpu.vector_load %arg5[%parallel_loop3A_248] {strides = array<i32>} : memref<32768xi32, #tpu.memory_space<vmem>>, vector<16xi32>,
      %parallel_loop3A_250 = arith.addi %parallel_loop3A_235, %parallel_loop3A_249 : vector<16xi32>
      %parallel_loop3A_251 = arith.constant 13312 : i32
      %parallel_loop3A_252 = arith.addi %parallel_loop3A_251, %parallel_loop3A_39 : i32
      %parallel_loop3A_253 = arith.index_cast %parallel_loop3A_252 : i32 to index
      %parallel_loop3A_254 = tpu.vector_load %arg6[%parallel_loop3A_253] {strides = array<i32>} : memref<16384xi32, #tpu.memory_space<vmem>>, vector<16xi32>,
      %parallel_loop3A_255 = arith.addi %parallel_loop3A_240, %parallel_loop3A_254 : vector<16xi32>
      %parallel_loop3A_256 = arith.constant 28672 : i32
      %parallel_loop3A_257 = arith.addi %parallel_loop3A_256, %parallel_loop3A_39 : i32
      %parallel_loop3A_258 = arith.index_cast %parallel_loop3A_257 : i32 to index
      %parallel_loop3A_259 = tpu.vector_load %arg5[%parallel_loop3A_258] {strides = array<i32>} : memref<32768xi32, #tpu.memory_space<vmem>>, vector<16xi32>,
      %parallel_loop3A_260 = arith.addi %parallel_loop3A_245, %parallel_loop3A_259 : vector<16xi32>
      %parallel_loop3A_261 = arith.constant 29696 : i32
      %parallel_loop3A_262 = arith.addi %parallel_loop3A_261, %parallel_loop3A_39 : i32
      %parallel_loop3A_263 = arith.index_cast %parallel_loop3A_262 : i32 to index
      %parallel_loop3A_264 = tpu.vector_load %arg5[%parallel_loop3A_263] {strides = array<i32>} : memref<32768xi32, #tpu.memory_space<vmem>>, vector<16xi32>,
      %parallel_loop3A_265 = arith.addi %parallel_loop3A_250, %parallel_loop3A_264 : vector<16xi32>
      %parallel_loop3A_266 = arith.constant 14336 : i32
      %parallel_loop3A_267 = arith.addi %parallel_loop3A_266, %parallel_loop3A_39 : i32
      %parallel_loop3A_268 = arith.index_cast %parallel_loop3A_267 : i32 to index
      %parallel_loop3A_269 = tpu.vector_load %arg6[%parallel_loop3A_268] {strides = array<i32>} : memref<16384xi32, #tpu.memory_space<vmem>>, vector<16xi32>,
      %parallel_loop3A_270 = arith.addi %parallel_loop3A_255, %parallel_loop3A_269 : vector<16xi32>
      %parallel_loop3A_271 = arith.constant 30720 : i32
      %parallel_loop3A_272 = arith.addi %parallel_loop3A_271, %parallel_loop3A_39 : i32
      %parallel_loop3A_273 = arith.index_cast %parallel_loop3A_272 : i32 to index
      %parallel_loop3A_274 = tpu.vector_load %arg5[%parallel_loop3A_273] {strides = array<i32>} : memref<32768xi32, #tpu.memory_space<vmem>>, vector<16xi32>,
      %parallel_loop3A_275 = arith.addi %parallel_loop3A_260, %parallel_loop3A_274 : vector<16xi32>
      %parallel_loop3A_276 = arith.constant 31744 : i32
      %parallel_loop3A_277 = arith.addi %parallel_loop3A_276, %parallel_loop3A_39 : i32
      %parallel_loop3A_278 = arith.index_cast %parallel_loop3A_277 : i32 to index
      %parallel_loop3A_279 = tpu.vector_load %arg5[%parallel_loop3A_278] {strides = array<i32>} : memref<32768xi32, #tpu.memory_space<vmem>>, vector<16xi32>,
      %parallel_loop3A_280 = arith.addi %parallel_loop3A_265, %parallel_loop3A_279 : vector<16xi32>
      %parallel_loop3A_281 = arith.constant 15360 : i32
      %parallel_loop3A_282 = arith.addi %parallel_loop3A_281, %parallel_loop3A_39 : i32
      %parallel_loop3A_283 = arith.index_cast %parallel_loop3A_282 : i32 to index
      %parallel_loop3A_284 = tpu.vector_load %arg6[%parallel_loop3A_283] {strides = array<i32>} : memref<16384xi32, #tpu.memory_space<vmem>>, vector<16xi32>,
      %parallel_loop3A_285 = arith.addi %parallel_loop3A_270, %parallel_loop3A_284 : vector<16xi32>
      %parallel_loop3A_286 = arith.index_cast %parallel_loop3A_39 : i32 to index
      %parallel_loop3A_287 = tpu.vector_load %arg7[%parallel_loop3A_286] {strides = array<i32>} : memref<1024xi32, #tpu.memory_space<vmem>>, vector<16xi32>,
      tpu.vector_store %arg7[%parallel_loop3A_286], %parallel_loop3A_275 {strides = array<i32>} : memref<1024xi32, #tpu.memory_space<vmem>>, vector<16xi32>,
      %parallel_loop3A_288 = arith.index_cast %parallel_loop3A_39 : i32 to index
      %parallel_loop3A_289 = tpu.vector_load %arg8[%parallel_loop3A_288] {strides = array<i32>} : memref<1024xi32, #tpu.memory_space<vmem>>, vector<16xi32>,
      tpu.vector_store %arg8[%parallel_loop3A_288], %parallel_loop3A_280 {strides = array<i32>} : memref<1024xi32, #tpu.memory_space<vmem>>, vector<16xi32>,
      %parallel_loop3A_290 = arith.index_cast %parallel_loop3A_39 : i32 to index
      %parallel_loop3A_291 = tpu.vector_load %arg9[%parallel_loop3A_290] {strides = array<i32>} : memref<1024xi32, #tpu.memory_space<vmem>>, vector<16xi32>,
      tpu.vector_store %arg9[%parallel_loop3A_290], %parallel_loop3A_285 {strides = array<i32>} : memref<1024xi32, #tpu.memory_space<vmem>>, vector<16xi32>,
    } {sc.loop_unroll_factor = 1 : i64, sc.parallel_access}
    %mul3A_34 = arith.constant 2 : i32
    %mul3A_35 = arith.muli %arg1, %mul3A_34 : i32
    %add3A_36 = arith.addi %mul3A_35, %arg0 : i32
    %run_scoped3A = arith.constant 0 : i32
    "tpu.region"() ({
      %run_scoped3A_39 = tpu.sem_alloc : memref<!tpu.dma_semaphore, #tpu.memory_space<semaphore_mem>>
      %dma_start3A = arith.constant 0 : i32
      %dma_start3A_40 = tpu.memref_slice %arg4[%run_scoped3A, %add3A_36, %dma_start3A] : memref<3x32x1024xi32, #tpu.memory_space<hbm>> -> memref<1x1x1024xi32, #tpu.memory_space<hbm>>
      %dma_start3A_41 = tpu.memref_squeeze %dma_start3A_40 : memref<1x1x1024xi32, #tpu.memory_space<hbm>> -> memref<1024xi32, #tpu.memory_space<hbm>>
      %dma_start3A_42 = arith.constant 0 : i32
      %dma_start3A_43 = tpu.memref_slice %arg4[%run_scoped3A, %add3A_36, %dma_start3A_42] : memref<3x32x1024xi32, #tpu.memory_space<hbm>> -> memref<1x1x1024xi32, #tpu.memory_space<hbm>>
      %dma_start3A_44 = tpu.memref_squeeze %dma_start3A_43 : memref<1x1x1024xi32, #tpu.memory_space<hbm>> -> memref<1024xi32, #tpu.memory_space<hbm>>
      tpu.enqueue_dma source(%arg7 : memref<1024xi32, #tpu.memory_space<vmem>>) target(%dma_start3A_44 : memref<1024xi32, #tpu.memory_space<hbm>>) target_semaphore(%run_scoped3A_39 : memref<!tpu.dma_semaphore, #tpu.memory_space<semaphore_mem>>)
      %dma_wait3A = arith.constant 0 : i32
      %dma_wait3A_45 = tpu.memref_slice %arg4[%run_scoped3A, %add3A_36, %dma_wait3A] : memref<3x32x1024xi32, #tpu.memory_space<hbm>> -> memref<1x1x1024xi32, #tpu.memory_space<hbm>>
      %dma_wait3A_46 = tpu.memref_squeeze %dma_wait3A_45 : memref<1x1x1024xi32, #tpu.memory_space<hbm>> -> memref<1024xi32, #tpu.memory_space<hbm>>
      %dma_wait3A_47 = arith.constant 0 : i32
      %dma_wait3A_48 = tpu.memref_slice %arg4[%run_scoped3A, %add3A_36, %dma_wait3A_47] : memref<3x32x1024xi32, #tpu.memory_space<hbm>> -> memref<1x1x1024xi32, #tpu.memory_space<hbm>>
      %dma_wait3A_49 = tpu.memref_squeeze %dma_wait3A_48 : memref<1x1x1024xi32, #tpu.memory_space<hbm>> -> memref<1024xi32, #tpu.memory_space<hbm>>
      tpu.wait_dma2 semaphore(%run_scoped3A_39 : memref<!tpu.dma_semaphore, #tpu.memory_space<semaphore_mem>>) src(%arg7 : memref<1024xi32, #tpu.memory_space<vmem>>) dst(%dma_wait3A_49 : memref<1024xi32, #tpu.memory_space<hbm>>)
      tpu.yield
    }) : () -> ()
    %run_scoped3A_37 = arith.constant 1 : i32
    "tpu.region"() ({
      %run_scoped3A_39 = tpu.sem_alloc : memref<!tpu.dma_semaphore, #tpu.memory_space<semaphore_mem>>
      %dma_start3A = arith.constant 0 : i32
      %dma_start3A_40 = tpu.memref_slice %arg4[%run_scoped3A_37, %add3A_36, %dma_start3A] : memref<3x32x1024xi32, #tpu.memory_space<hbm>> -> memref<1x1x1024xi32, #tpu.memory_space<hbm>>
      %dma_start3A_41 = tpu.memref_squeeze %dma_start3A_40 : memref<1x1x1024xi32, #tpu.memory_space<hbm>> -> memref<1024xi32, #tpu.memory_space<hbm>>
      %dma_start3A_42 = arith.constant 0 : i32
      %dma_start3A_43 = tpu.memref_slice %arg4[%run_scoped3A_37, %add3A_36, %dma_start3A_42] : memref<3x32x1024xi32, #tpu.memory_space<hbm>> -> memref<1x1x1024xi32, #tpu.memory_space<hbm>>
      %dma_start3A_44 = tpu.memref_squeeze %dma_start3A_43 : memref<1x1x1024xi32, #tpu.memory_space<hbm>> -> memref<1024xi32, #tpu.memory_space<hbm>>
      tpu.enqueue_dma source(%arg8 : memref<1024xi32, #tpu.memory_space<vmem>>) target(%dma_start3A_44 : memref<1024xi32, #tpu.memory_space<hbm>>) target_semaphore(%run_scoped3A_39 : memref<!tpu.dma_semaphore, #tpu.memory_space<semaphore_mem>>)
      %dma_wait3A = arith.constant 0 : i32
      %dma_wait3A_45 = tpu.memref_slice %arg4[%run_scoped3A_37, %add3A_36, %dma_wait3A] : memref<3x32x1024xi32, #tpu.memory_space<hbm>> -> memref<1x1x1024xi32, #tpu.memory_space<hbm>>
      %dma_wait3A_46 = tpu.memref_squeeze %dma_wait3A_45 : memref<1x1x1024xi32, #tpu.memory_space<hbm>> -> memref<1024xi32, #tpu.memory_space<hbm>>
      %dma_wait3A_47 = arith.constant 0 : i32
      %dma_wait3A_48 = tpu.memref_slice %arg4[%run_scoped3A_37, %add3A_36, %dma_wait3A_47] : memref<3x32x1024xi32, #tpu.memory_space<hbm>> -> memref<1x1x1024xi32, #tpu.memory_space<hbm>>
      %dma_wait3A_49 = tpu.memref_squeeze %dma_wait3A_48 : memref<1x1x1024xi32, #tpu.memory_space<hbm>> -> memref<1024xi32, #tpu.memory_space<hbm>>
      tpu.wait_dma2 semaphore(%run_scoped3A_39 : memref<!tpu.dma_semaphore, #tpu.memory_space<semaphore_mem>>) src(%arg8 : memref<1024xi32, #tpu.memory_space<vmem>>) dst(%dma_wait3A_49 : memref<1024xi32, #tpu.memory_space<hbm>>)
      tpu.yield
    }) : () -> ()
    %run_scoped3A_38 = arith.constant 2 : i32
    "tpu.region"() ({
      %run_scoped3A_39 = tpu.sem_alloc : memref<!tpu.dma_semaphore, #tpu.memory_space<semaphore_mem>>
      %dma_start3A = arith.constant 0 : i32
      %dma_start3A_40 = tpu.memref_slice %arg4[%run_scoped3A_38, %add3A_36, %dma_start3A] : memref<3x32x1024xi32, #tpu.memory_space<hbm>> -> memref<1x1x1024xi32, #tpu.memory_space<hbm>>
      %dma_start3A_41 = tpu.memref_squeeze %dma_start3A_40 : memref<1x1x1024xi32, #tpu.memory_space<hbm>> -> memref<1024xi32, #tpu.memory_space<hbm>>
      %dma_start3A_42 = arith.constant 0 : i32
      %dma_start3A_43 = tpu.memref_slice %arg4[%run_scoped3A_38, %add3A_36, %dma_start3A_42] : memref<3x32x1024xi32, #tpu.memory_space<hbm>> -> memref<1x1x1024xi32, #tpu.memory_space<hbm>>
      %dma_start3A_44 = tpu.memref_squeeze %dma_start3A_43 : memref<1x1x1024xi32, #tpu.memory_space<hbm>> -> memref<1024xi32, #tpu.memory_space<hbm>>
      tpu.enqueue_dma source(%arg9 : memref<1024xi32, #tpu.memory_space<vmem>>) target(%dma_start3A_44 : memref<1024xi32, #tpu.memory_space<hbm>>) target_semaphore(%run_scoped3A_39 : memref<!tpu.dma_semaphore, #tpu.memory_space<semaphore_mem>>)
      %dma_wait3A = arith.constant 0 : i32
      %dma_wait3A_45 = tpu.memref_slice %arg4[%run_scoped3A_38, %add3A_36, %dma_wait3A] : memref<3x32x1024xi32, #tpu.memory_space<hbm>> -> memref<1x1x1024xi32, #tpu.memory_space<hbm>>
      %dma_wait3A_46 = tpu.memref_squeeze %dma_wait3A_45 : memref<1x1x1024xi32, #tpu.memory_space<hbm>> -> memref<1024xi32, #tpu.memory_space<hbm>>
      %dma_wait3A_47 = arith.constant 0 : i32
      %dma_wait3A_48 = tpu.memref_slice %arg4[%run_scoped3A_38, %add3A_36, %dma_wait3A_47] : memref<3x32x1024xi32, #tpu.memory_space<hbm>> -> memref<1x1x1024xi32, #tpu.memory_space<hbm>>
      %dma_wait3A_49 = tpu.memref_squeeze %dma_wait3A_48 : memref<1x1x1024xi32, #tpu.memory_space<hbm>> -> memref<1024xi32, #tpu.memory_space<hbm>>
      tpu.wait_dma2 semaphore(%run_scoped3A_39 : memref<!tpu.dma_semaphore, #tpu.memory_space<semaphore_mem>>) src(%arg9 : memref<1024xi32, #tpu.memory_space<vmem>>) dst(%dma_wait3A_49 : memref<1024xi32, #tpu.memory_space<hbm>>)
      tpu.yield
    }) : () -> ()
    return
  }
}

module attributes {stable_mosaic.version = 14 : i64} {
  func.func @_f1_body(%arg0: memref<3x32x1024xi32, #tpu.memory_space<vmem>>, %arg1: memref<1x1xf32, #tpu.memory_space<vmem>>) attributes {dimension_semantics = [], scalar_prefetch = 0 : i64, scratch_operands = 0 : i64, tpu.core_type = #tpu.core_type<tc>} {
    %get3A = arith.constant 0 : index
    %get3A_0 = arith.constant 0 : index
    %get3A_1 = arith.constant 0 : index
    %get3A_2 = vector.load %arg0[%get3A, %get3A_0, %get3A_1] : memref<3x32x1024xi32, #tpu.memory_space<vmem>>, vector<3x32x1024xi32>
    %convert_element_type3A = arith.sitofp %get3A_2 : vector<3x32x1024xi32> to vector<3x32x1024xf32>
    %reduce_sum3A = arith.constant dense<0.000000e+00> : vector<3x1024xf32>
    %reduce_sum3A_3 = vector.multi_reduction <add>, %convert_element_type3A, %reduce_sum3A [1] : vector<3x32x1024xf32> to vector<3x1024xf32>
    %slice3A = vector.extract_strided_slice %reduce_sum3A_3 {offsets = [0, 0], sizes = [1, 1024], strides = [1, 1]} : vector<3x1024xf32> to vector<1x1024xf32>
    %slice3A_4 = vector.extract_strided_slice %reduce_sum3A_3 {offsets = [1, 0], sizes = [1, 1024], strides = [1, 1]} : vector<3x1024xf32> to vector<1x1024xf32>
    %slice3A_5 = vector.extract_strided_slice %reduce_sum3A_3 {offsets = [2, 0], sizes = [1, 1024], strides = [1, 1]} : vector<3x1024xf32> to vector<1x1024xf32>
    %add3A = arith.addf %slice3A, %slice3A_4 : vector<1x1024xf32>
    %sub3A = arith.subf %slice3A_5, %slice3A_4 : vector<1x1024xf32>
    %sub3A_6 = arith.subf %add3A, %slice3A_4 : vector<1x1024xf32>
    %add3A_7 = arith.addf %slice3A_4, %sub3A : vector<1x1024xf32>
    %add3A_8 = arith.constant 1.000000e-07 : f32
    %add3A_9 = vector.broadcast %add3A_8 : f32 to vector<1x1024xf32>
    %add3A_10 = arith.addf %add3A_7, %add3A_9 : vector<1x1024xf32>
    %div3A = arith.divf %slice3A_4, %add3A_10 : vector<1x1024xf32>
    %add3A_11 = arith.addf %slice3A_4, %sub3A_6 : vector<1x1024xf32>
    %add3A_12 = arith.constant 1.000000e-07 : f32
    %add3A_13 = vector.broadcast %add3A_12 : f32 to vector<1x1024xf32>
    %add3A_14 = arith.addf %add3A_11, %add3A_13 : vector<1x1024xf32>
    %div3A_15 = arith.divf %slice3A_4, %add3A_14 : vector<1x1024xf32>
    %mul3A = arith.constant 2.000000e+00 : f32
    %mul3A_16 = vector.broadcast %mul3A : f32 to vector<1x1024xf32>
    %mul3A_17 = arith.mulf %mul3A_16, %div3A : vector<1x1024xf32>
    %mul3A_18 = arith.mulf %mul3A_17, %div3A_15 : vector<1x1024xf32>
    %add3A_19 = arith.addf %div3A, %div3A_15 : vector<1x1024xf32>
    %add3A_20 = arith.constant 1.000000e-07 : f32
    %add3A_21 = vector.broadcast %add3A_20 : f32 to vector<1x1024xf32>
    %add3A_22 = arith.addf %add3A_19, %add3A_21 : vector<1x1024xf32>
    %div3A_23 = arith.divf %mul3A_18, %add3A_22 : vector<1x1024xf32>
    %reduce_sum3A_24 = arith.constant dense<0.000000e+00> : vector<1xf32>
    %reduce_sum3A_25 = vector.multi_reduction <add>, %div3A_23, %reduce_sum3A_24 [1] : vector<1x1024xf32> to vector<1xf32>
    %broadcast_in_dim3A = vector.shape_cast %reduce_sum3A_25 : vector<1xf32> to vector<1x1xf32>
    %div3A_26 = arith.constant 1.000000e+03 : f32
    %div3A_27 = vector.broadcast %div3A_26 : f32 to vector<1x1xf32>
    %div3A_28 = arith.divf %broadcast_in_dim3A, %div3A_27 : vector<1x1xf32>
    %swap3A = arith.constant 0 : index
    %swap3A_29 = arith.constant 0 : index
    %swap3A_30 = vector.load %arg1[%swap3A, %swap3A_29] : memref<1x1xf32, #tpu.memory_space<vmem>>, vector<1x1xf32>
    tpu.vector_store %arg1[%swap3A, %swap3A_29], %div3A_28 {strides = array<i32>} : memref<1x1xf32, #tpu.memory_space<vmem>>, vector<1x1xf32>,
    return
  }
}

</mosaic_0001>

<sc_bundles>
// kernel: kernel.4.cloned.1.call-start
scs
__scs_entry_jumppad:
0x0: {  	(pc) =	sbr.rel $0x88, $3  }
0x1: {  	(tag) =	ssettag $0x0;
	lr =	simm.s32 $0x1  }
0x2: {  	[smem:$0x3F9F] =	sst lr;
	_ =	strace $0xD0000000  }
0x3: {  	_ = 	snop  }
0x4: {  	_ = 	snop  }
0x5: {  	_ = 	snop  }
0x6: {  	_ = 	snop  }
0x7: {  	_ = 	snop  }
__scs_overlays_trampoline_lowered:
0x8: {  	[smem:$0x3FAE] =	sst s0  }
0x9: {  	[smem:$0x3FAF] =	sst s1  }
0xa: {  	[smem:$0x3FB0] =	sst s2  }
0xb: {  	[smem:$0x3FB1] =	sst s3  }
0xc: {  	[smem:$0x3FB2] =	sst s4  }
0xd: {  	[smem:$0x3FB3] =	sst s5  }
0xe: {  	[smem:$0x3FB4] =	sst s6  }
0xf: {  	[smem:$0x3FB5] =	sst s7  }
0x10: {  	[smem:$0x3FB6] =	sst s8  }
0x11: {  	[smem:$0x3FB7] =	sst s9;
	s0 =	simm.s32 @!p0 $0x0  }
0x12: {  	s1 =	sld [smem:$0x3F9D];
	s0 =	simm.s32 @p0 $0x1  }
0x13: {  	[smem:$0x3FB8] =	sst s0;
	s0 =	simm.s32 @!p1 $0x0  }
0x14: {  	s2 =	sld [smem:$0x3F9C];
	s0 =	simm.s32 @p1 $0x1  }
0x15: {  	[smem:$0x3FB9] =	sst s0;
	s0 =	simm.s32 @!p2 $0x0  }
0x16: {  	s3 =	sld [smem:$0x3FDB];
	s0 =	simm.s32 @p2 $0x1  }
0x17: {  	s4 =	simm.s32 $0x1BF5;
	[smem:$0x3FBB] =	sst s0  }
0x18: {  	s0 =	sld [smem:$0x3F9E];
	_ =	swait.ge [sflag:s4], $0x0  }
0x19: {  	s7 =	sld [smem:$0x3F9F]  }
0x1a: {  	s8 =	sadd.s32 $0xFFFFE003, lr  }
0x1b: {  	s9 =	sadd.s32 $0xFFFFFEF7, lr;
	s5 =	simm.s32 $0xFFFFFFFF;
	p2 =	slt.u32 s8, $0xFFFFF086  }
0x1c: {  	p1 =	slt.u32 s9, $0xF7A;
	s5 =	simm.s32 @!p2 $0x0  }
0x1d: {  	s5 =	simm.s32 @p1 $0x1;
	p0 =	seq.s32 s7, s2  }
0x1e: {  	s7 =	smul.u32 @!p0 $0xF7A, s2;
	p2 =	seq.s32 @!p0 s5, $0x0  }
0x1f: {  	s9 =	smul.u32 $0xF7A, s1;
	s8 =	simm.s32 @!p0 $0x1BF5;
	p2 =	por !p2, p0  }
0x20: {  	[sflag:s8] =	ssyncset.s32 @!p0 $0xFFFFF086;
	s6 =	sadd.s32 @!p0 s3, s7;
	s7 =	simm.s32 @!p0 $0x108  }
0x21: {  	s3 =	sadd.s32 s3, s9;
	s6 =	sadd.s32 @!p0 $0x88, s6;
	s7 =	simm.s32 @p2 $0x1082  }
0x22: {  	[simem:s7], [sflag:s8] =	dma.local @!p0 [hbm:s6], $0xF7A  }
0x23: {  	s9 =	sor.u32 $0xD0000000, s2;
	s6 =	simm.s32 $0x108;
	_ =	swait.ge @!p0 [sflag:s8], $0x0  }
0x24: {  	s3 =	sadd.s32 $0x88, s3;
	s6 =	simm.s32 @!p1 $0x1082;
	[sflag:s4] =	ssyncset.s32 $0xFFFFF086  }
0x25: {  	[simem:s6], [sflag:s4] =	dma.local [hbm:s3], $0xF7A  }
0x26: {  	[smem:$0x3F9F] =	sst s1;
	(tag) =	ssettag s2;
	_ =	strace s9  }
0x27: {  	s1 =	sld [smem:$0x3FAF]  }
0x28: {  	s2 =	sld [smem:$0x3FB0]  }
0x29: {  	s4 =	sld [smem:$0x3FB2]  }
0x2a: {  	p0 =	seq.s32 s5, $0x0;
	s5 =	sld [smem:$0x3FB3]  }
0x2b: {  	s6 =	sld [smem:$0x3FB4]  }
0x2c: {  	s7 =	sld [smem:$0x3FB5]  }
0x2d: {  	s3 =	simm.s32 $0x108;
	s8 =	sld [smem:$0x3FB6]  }
0x2e: {  	s3 =	simm.s32 @!p0 $0x1082;
	s9 =	sld [smem:$0x3FB7]  }
0x2f: {  	lr =	sadd.s32 s0, s3;
	s0 =	sld [smem:$0x3FAE]  }
0x30: {  	s3 =	sld [smem:$0x3FB1]  }
0x31: {  	[smem:$0x3FBA] =	sst s10  }
0x32: {  	s10 =	sld [smem:$0x3FB8];
	_ =	sdelay $0x3  }
0x33: {  	p0 =	seq.s32 s10, $0x1;
	s10 =	sld [smem:$0x3FBA];
	_ =	sdelay $0x3  }
0x34: {  	[smem:$0x3FBA] =	sst s10  }
0x35: {  	s10 =	sld [smem:$0x3FB9];
	_ =	sdelay $0x3  }
0x36: {  	p1 =	seq.s32 s10, $0x1;
	s10 =	sld [smem:$0x3FBA];
	_ =	sdelay $0x3  }
0x37: {  	[smem:$0x3FBA] =	sst s10  }
0x38: {  	s10 =	sld [smem:$0x3FBB]  }
0x39: {  	_ = 	snop;
	(pc) =	sbr.ind lr, $3  }
0x3a: {  	_ = 	snop  }
0x3b: {  	_ = 	snop  }
0x3c: {  	p2 =	seq.s32 s10, $0x1;
	s10 =	sld [smem:$0x3FBA]  }
0x3d: {  	_ =	shalt  }
0x3e: {  	_ =	shalt  }
0x3f: {  	_ =	shalt  }
0x40: {  	_ =	shalt  }
0x41: {  	_ =	shalt  }
0x42: {  	_ =	shalt  }
0x43: {  	_ =	shalt  }
0x44: {  	_ =	shalt  }
0x45: {  	_ =	shalt  }
0x46: {  	_ =	shalt  }
0x47: {  	_ =	shalt  }
0x48: {  	_ =	shalt  }
0x49: {  	_ =	shalt  }
0x4a: {  	_ =	shalt  }
0x4b: {  	_ =	shalt  }
0x4c: {  	_ =	shalt  }
0x4d: {  	_ =	shalt  }
0x4e: {  	_ =	shalt  }
0x4f: {  	_ =	shalt  }
0x50: {  	_ =	shalt  }
0x51: {  	_ =	shalt  }
0x52: {  	_ =	shalt  }
0x53: {  	_ =	shalt  }
0x54: {  	_ =	shalt  }
0x55: {  	_ =	shalt  }
0x56: {  	_ =	shalt  }
0x57: {  	_ =	shalt  }
0x58: {  	_ =	shalt  }
0x59: {  	_ =	shalt  }
0x5a: {  	_ =	shalt  }
0x5b: {  	_ =	shalt  }
0x5c: {  	_ =	shalt  }
0x5d: {  	_ =	shalt  }
0x5e: {  	_ =	shalt  }
0x5f: {  	_ =	shalt  }
0x60: {  	_ =	shalt  }
0x61: {  	_ =	shalt  }
0x62: {  	_ =	shalt  }
0x63: {  	_ =	shalt  }
0x64: {  	_ =	shalt  }
0x65: {  	_ =	shalt  }
0x66: {  	_ =	shalt  }
0x67: {  	_ =	shalt  }
0x68: {  	_ =	shalt  }
0x69: {  	_ =	shalt  }
0x6a: {  	_ =	shalt  }
0x6b: {  	_ =	shalt  }
0x6c: {  	_ =	shalt  }
0x6d: {  	_ =	shalt  }
0x6e: {  	_ =	shalt  }
0x6f: {  	_ =	shalt  }
0x70: {  	_ =	shalt  }
0x71: {  	_ =	shalt  }
0x72: {  	_ =	shalt  }
0x73: {  	_ =	shalt  }
0x74: {  	_ =	shalt  }
0x75: {  	_ =	shalt  }
0x76: {  	_ =	shalt  }
0x77: {  	_ =	shalt  }
0x78: {  	_ =	shalt  }
0x79: {  	_ =	shalt  }
0x7a: {  	_ =	shalt  }
0x7b: {  	_ =	shalt  }
0x7c: {  	_ =	shalt  }
0x7d: {  	_ =	shalt  }
0x7e: {  	_ =	shalt  }
0x7f: {  	_ =	shalt  }
0x80: {  	_ =	shalt  }
0x81: {  	_ =	shalt  }
0x82: {  	_ =	shalt  }
0x83: {  	_ =	shalt  }
0x84: {  	_ =	shalt  }
0x85: {  	_ =	shalt  }
0x86: {  	_ =	shalt  }
0x87: {  	_ =	shalt  }
.Lfunc_end0:
.L_simem_size_0:
called_computation_lowered:
.L_overlay_start_0:
0x88: {  	s2 =	sld [smem:$0x3FD9]  }
0x89: {  	s3 =	sld [smem:$0x3FFE];
	_ =	sdelay $0x1  }
0x8a: {  	s1 =	srdreg.scid  }
0x8b: {  	s0 =	sand.u32 $0x1, s1  }
0x8c: {  	s17 =	sshll.u32 s0, $0xA;
	s2 =	sadd.s32 s3, s2  }
0x8d: {  	s2 =	sadd.s32 s2, s17  }
0x8e: {  	[smem:$0x3FC6] =	sst s2  }
0x8f: {  	_ = 	snop  }
0x90: {  	s2 =	sld [smem:$0x3FC9]  }
0x91: {  	s18 =	sld [smem:$0x3FC8];
	(tm) =	ssettm $0x1  }
0x92: {  	s4 =	sld [smem:$0x3FFB];
	_ =	sdelay $0x3  }
0x93: {  	_ =	strace s4  }
0x94: {  	s4 =	sld [smem:$0x3FFC];
	_ =	sdelay $0x3  }
0x95: {  	_ =	strace s4  }
0x96: {  	s4 =	sld [smem:$0x3FFD];
	_ =	sdelay $0x3  }
0x97: {  	_ =	strace s4  }
0x98: {  	_ =	strace $0x8FFFFFFF  }
0x99: {  	s19 =	sld [smem:$0x3FDB];
	_ =	sdelay $0x1  }
0x9a: {  	s5 =	simm.s32 $_scs_section_size  }
0x9b: {  	s6 =	simm.s32 $_size__tile_overlayer_lowered;
	s7 =	simm.s32 $_tile_overlayer_lowered  }
0x9c: {  	s22 =	simm.s32 $0x1BFF;
	s21 =	sshll.u32 s7, $0x1;
	s4 =	sadd.s32 s5, s19  }
0x9d: {  	s8 =	simm.s32 $0x0;
	s20 =	sshll.u32 s6, $0x1;
	s6 =	sadd.s32 s21, s4  }
0x9e: {  	[timem:s8], [sflag:s22] =	dma.local [hbm:s6], s20  }
0x9f: {  	_ =	swait.ge [sflag:s22], s20  }
0xa0: {  	s5 =	ssub.s32 $0x0, s20;
	[sflag:s22] =	ssyncset.done $0x0  }
0xa1: {  	[sflag:s22] =	ssyncadd.s32 s5;
	_ =	sdelay $0x1  }
0xa2: {  	s23 =	simm.s32 $0x1B8B  }
0xa3: {  	_ =	swait.ge [sflag:s23], $0x1  }
0xa4: {  	[sflag:s23] =	ssyncset.done $0x0  }
0xa5: {  	s25 =	simm.s32 $0x1B8E;
	s24 =	sld [smem:$0x3FFE];
	[sflag:s23] =	ssyncadd.s32 $0xFFFFFFFF  }
0xa6: {  	s26 =	simm.s32 $execute0_lowered;
	[smem:$0x3FD2] =	sst s25  }
0xa7: {  	s6 =	sshll.u32 s26, $0x1;
	_ =	strace $0x80000046;
	[dreg:$0x1] =	wrdreg $0xFFFFFFFF  }
0xa8: {  	s28 =	simm.s32 $_size_execute0_lowered;
	s4 =	sadd.s32 s4, s6;
	[dreg:$0x0] =	wrdreg $0x0  }
0xa9: {  	s6 =	sshll.u32 s28, $0x1;
	[dreg:$0x2] =	wrdreg s4  }
0xaa: {  	[dreg:$0x3] =	wrdreg s6  }
0xab: {  	[dreg:$0x4] =	wrdreg $0xC0  }
0xac: {  	_ =	task [dreg:s8], $0x5FFFF  }
0xad: {  	[dreg:$0x1] =	wrdreg $0xFFFFFFFF  }
0xae: {  	[dreg:$0x0] =	wrdreg $0x60  }
0xaf: {  	[dreg:$0x2] =	wrdreg s2  }
0xb0: {  	[dreg:$0x3] =	wrdreg s18  }
0xb1: {  	[dreg:$0x4] =	wrdreg s24  }
0xb2: {  	[dreg:$0x5] =	wrdreg $0x9  }
0xb3: {  	_ =	task.clear_ibuf [dreg:s8], $0x6FFFF;
	_ =	strace $0x90000046  }
0xb4: {  	s29 =	simm.s32 $0x9;
	_ =	strace $0x8000004E  }
0xb5: {  	_ =	swait.ge [sflag:s29], $0x1  }
0xb6: {  	[sflag:s29] =	ssyncadd.s32 $0xFFFFFFFF  }
0xb7: {  	_ =	strace $0x9000004E  }
0xb8: {  	_ =	sfence  }
0xb9: {  	s30 =	sld [smem:$0x0];
	_ =	sdelay $0x2  }
0xba: {  	s31 =	sshll.u32 s1, $0xD;
	s1 =	sshrl.u32 s1, $0x2  }
0xbb: {  	s3 =	sand.u32 $0x4000, s31;
	s1 =	sadd.s32 s1, s30  }
0xbc: {  	s0 =	sor.u32 s3, s0;
	s1 =	sshll.u32 s1, $0x11  }
0xbd: {  	s0 =	sor.u32 s1, s0  }
0xbe: {  	s0 =	sadd.s32 $0x8F2B, s0  }
0xbf: {  	[sflag:s0] =	ssyncadd.remote.s32 $0x1  }
0xc0: {  	_ =	sfence.sel $0xFFFF  }
0xc1: {  	[dreg:$0x0] =	wrdreg $0xFFFFFFFF;
	(pc) =	sbr.abs _section_cstart, $3  }
0xc2: {  	[dreg:$0x1] =	wrdreg $0xFFFFFFFF  }
0xc3: {  	_ =	task.clear_ibuf [dreg:s8], $0x2FFFF;
	_ =	strace $0x9FFFFFFF  }
0xc4: {  	(tm) =	ssettm $0x7FFFFFFF  }
0xc5: {  	_ =	shalt  }
tec
execute0_lowered:
.L_overlay_start_1:
0x0: {  	(tag) =	ssettag $0x1  }
0x1: {  	s1 =	rddreg [dreg:$0x0]  }
0x2: {  	s2 =	rddreg [dreg:$0x1]  }
0x3: {  	s0 =	rddreg [dreg:$0x2];
	s3 =	srdreg.scid;
	s4 =	simm.s32 $0x0  }
0x4: {  	s8 =	stileid.u32;
	s16 =	simm.s32 $0x8000;
	s17 =	simm.s32 $0x1  }
0x5: {  	s18 =	simm.s32 $0x80;
	s19 =	simm.s32 $0x400;
	s22 =	simm.s32 $0xC800  }
0x6: {  	s23 =	simm.s32 $0x0;
	s3 =	sand.u32 $0x1, s3;
	[smem:$0x7FF] =	sst s4  }
0x7: {  	s7 =	sshll.u32 s8, $0x8;
	s6 =	sshll.u32 s3, $0x4;
	_ =	strace $0x80000047  }
0x8: {  	s3 =	ssub.s32 $0x2, s3;
	s5 =	sor.u32 s8, s6;
	s8 =	sshll.u32 s8, $0x5  }
0x9: {  	s31 =	sshrl.u32 s3, $0x1;
	s9 =	smul.u32 $0xF, s5;
	s7 =	sor.u32 s7, s8  }
0xa: {  	p0 =	slt.u32 s5, $0x14;
	s8 =	sshll.u32 s5, $0x4;
	s7 =	sand.u32 $0xC60, s7  }
0xb: {  	s3 =	ssub.s32 s3, s31;
	s5 =	sadd.s32 $0x14, s9;
	s6 =	sor.u32 s6, s7  }
0xc: {  	s5 =	smov.u32 @p0 s8;
	s0 =	sadd.s32 s6, s0;
	s6 =	simm.s32 $0x10  }
0xd: {  	s13 =	smax.u32 s3, $0x1;
	s8 =	smul.u32 $0x3E8, s5;
	s6 =	simm.s32 @!p0 $0xF  }
0xe: {  	v0 =	vimm.s32 $0x0;
	v2 =	vlaneseq.u32;
	s10 =	sadd.s32 $0x600, s0;
	s11 =	sadd.s32 $0x1600, s0;
	s12 =	sadd.s32 $0x2600, s0  }
0xf: {  	v3 =	vimm.s32 $0x1;
	v1 =	vmul.u32 $0x800, v2;
	v2 =	vmul.u32 $0x400, v2;
	s9 =	sadd.s32 $0xFFFFFFFF, s6;
	s7 =	sadd.s32 s1, s8;
	s8 =	sadd.s32 s2, s8  }
.LBB2_1:
0x10: {  	s3 =	simm.s32 $0x40  }
0x11: {  	[tilespmem:s3+$0xFFFFFFC0] =	vst v0  }
0x12: {  	[tilespmem:s3+$0x30] =	vst v0  }
0x13: {  	[tilespmem:s3+$0x20] =	vst v0  }
0x14: {  	[tilespmem:s3+$0x10] =	vst v0  }
0x15: {  	[tilespmem:s3+$0x0] =	vst v0  }
0x16: {  	[tilespmem:s3+$0xFFFFFFF0] =	vst v0  }
0x17: {  	s14 =	simm.s32 $0x0;
	[tilespmem:s3+$0xFFFFFFE0] =	vst v0  }
.LBB2_2:
0x18: {  	s14 =	sadd.s32 $0x80, s14;
	[tilespmem:s3+$0xFFFFFFD0] =	vst v0;
	s3 =	sadd.s32 $0x80, s3;
	s0 =	simm.s32 $0x8040  }
0x19: {  	[tilespmem:s3+$0xFFFFFFC0] =	vst v0;
	p0 =	slt.u32 s14, $0x7F80  }
0x1a: {  	[tilespmem:s3+$0x30] =	vst v0  }
.Ltmp0:
0x1b: {  	[tilespmem:s3+$0x20] =	vst v0;
	(pc) =	sbr.rel @p0 .LBB2_2-.Ltmp0, $4  }
0x1c: {  	[tilespmem:s3+$0x10] =	vst v0  }
0x1d: {  	[tilespmem:s3+$0x0] =	vst v0  }
0x1e: {  	[tilespmem:s3+$0xFFFFFFF0] =	vst v0  }
0x1f: {  	[tilespmem:s3+$0xFFFFFFE0] =	vst v0  }
0x20: {  	[tilespmem:s3+$0xFFFFFFD0] =	vst v0  }
0x21: {  	[tilespmem:s0+$0xFFFFFFC0] =	vst v0  }
0x22: {  	[tilespmem:s0+$0x30] =	vst v0  }
0x23: {  	[tilespmem:s0+$0x20] =	vst v0  }
0x24: {  	[tilespmem:s0+$0x10] =	vst v0  }
0x25: {  	[tilespmem:s0+$0x0] =	vst v0  }
0x26: {  	[tilespmem:s0+$0xFFFFFFF0] =	vst v0  }
0x27: {  	s3 =	simm.s32 $0x0;
	[tilespmem:s0+$0xFFFFFFE0] =	vst v0  }
.LBB2_4:
0x28: {  	s3 =	sadd.s32 $0x80, s3;
	[tilespmem:s0+$0xFFFFFFD0] =	vst v0;
	s0 =	sadd.s32 $0x80, s0  }
0x29: {  	[tilespmem:s0+$0xFFFFFFC0] =	vst v0;
	p0 =	slt.u32 s3, $0x3F80  }
0x2a: {  	[tilespmem:s0+$0x30] =	vst v0  }
.Ltmp1:
0x2b: {  	[tilespmem:s0+$0x20] =	vst v0;
	(pc) =	sbr.rel @p0 .LBB2_4-.Ltmp1, $4  }
0x2c: {  	[tilespmem:s0+$0x10] =	vst v0  }
0x2d: {  	[tilespmem:s0+$0x0] =	vst v0  }
0x2e: {  	[tilespmem:s0+$0xFFFFFFF0] =	vst v0  }
0x2f: {  	[tilespmem:s0+$0xFFFFFFE0] =	vst v0  }
0x30: {  	[tilespmem:s0+$0xFFFFFFD0] =	vst v0;
	s30 =	simm.s32 $0x0  }
0x31: {  	s26 =	simm.s32 $0xCC00;
	s31 =	simm.s32 $0x10A80;
	_ =	strace $0x80000048  }
0x32: {  	[tilespmem:s26], [sflag:$0x1] =	stream.linear.gather [hbm4b:s7+s30], $0x1F40, $0x200038;
	[tilespmem:$0x14900] =	vst v63  }
0x33: {  	s24 =	simm.s32 $0x1;
	s25 =	simm.s32 $0x0;
	s28 =	simm.s32 $0x0  }
0x34: {  	[tilespmem:s31], [sflag:$0x3] =	stream.linear.gather [hbm4b:s8+s30], $0x1F40, $0x200038;
	[tilespmem:$0x14900] =	vst v63  }
0x35: {  	s29 =	simm.s32 $0x0;
	s26 =	simm.s32 $0x1;
	_ =	strace $0x90000048  }
.LBB2_6:
0x36: {  	s31 =	sadd.s32 $0x1, s30  }
0x37: {  	p0 =	seq.s32 s31, s6  }
0x38: {  	s31 =	simm.s32 @p0 $0x0;
	p0 =	sge.s32 s29, s9  }
0x39: {  	p1 =	seq.s32 @!p0 s30, s31  }
0x3a: {  	p2 =	por p1, p0  }
0x3b: {  	s0 =	sand.u32 @!p2 $0x1, s24  }
0x3c: {  	s14 =	sadd.s32 @!p2 s5, s31;
	s15 =	smul.u32 @!p2 $0x7D00, s0  }
0x3d: {  	s14 =	smul.u32 @!p2 $0x1F40, s14  }
0x3e: {  	_ =	strace @!p2 $0x80000049  }
0x3f: {  	s21 =	simm.s32 @!p2 $0x0;
	s15 =	sshrl.u32 @!p2 s15, $0x2;
	s14 =	sshrl.u32 @!p2 s14, $0x3  }
0x40: {  	s0 =	sadd.s32 @!p2 $0x1, s0;
	s15 =	sadd.s32 @!p2 $0xCC00, s15;
	s20 =	sadd.s32 @!p2 s1, s14  }
0x41: {  	[tilespmem:s15], [sflag:s0] =	stream.linear.gather @!p2 [hbm4b:s20+s21], $0x1F40, $0x200038;
	[tilespmem:$0x14900] =	vst v63  }
0x42: {  	s0 =	sand.u32 @!p2 $0x1, s26  }
0x43: {  	s15 =	smul.u32 @!p2 $0x7D00, s0;
	_ =	sdelay $0x1  }
0x44: {  	s14 =	sadd.s32 @!p2 s2, s14;
	_ =	strace @!p2 $0x90000049;
	s15 =	sshrl.u32 @!p2 s15, $0x2  }
0x45: {  	s0 =	sadd.s32 @!p2 $0x3, s0;
	_ =	strace @!p2 $0x8000004A;
	s15 =	sadd.s32 @!p2 $0x10A80, s15  }
0x46: {  	[tilespmem:s15], [sflag:s0] =	stream.linear.gather @!p2 [hbm4b:s14+s21], $0x1F40, $0x200038;
	[tilespmem:$0x14900] =	vst v63  }
0x47: {  	s0 =	sand.u32 $0x1, s28;
	_ =	strace @!p2 $0x9000004A  }
0x48: {  	s15 =	sadd.s32 $0x1, s0;
	_ =	strace $0x8000004B  }
0x49: {  	_ =	swait.ge [sflag:s15], $0x1F40  }
0x4a: {  	[sflag:s15] =	ssyncset.done $0x0  }
0x4b: {  	[sflag:s15] =	ssyncadd.s32 $0xFFFFE0C0  }
0x4c: {  	s20 =	sand.u32 $0x1, s25;
	_ =	strace $0x9000004B  }
0x4d: {  	s21 =	sadd.s32 $0x3, s20;
	_ =	strace $0x8000004C  }
0x4e: {  	_ =	swait.ge [sflag:s21], $0x1F40  }
0x4f: {  	s14 =	simm.s32 $0x1F40;
	p3 =	seq.s32 s0, $0x1;
	[sflag:s21] =	ssyncset.done $0x0  }
0x50: {  	s14 =	simm.s32 @!p3 $0x0;
	[sflag:s21] =	ssyncadd.s32 $0xFFFFE0C0  }
0x51: {  	p3 =	seq.s32 s20, $0x1;
	s15 =	simm.s32 $0x1F40;
	_ =	strace $0x9000004C  }
0x52: {  	s20 =	sadd.s32 $0xCC40, s14;
	s15 =	simm.s32 @!p3 $0x0;
	_ =	strace $0x8000004D  }
0x53: {  	s21 =	sadd.s32 $0x10AC0, s15;
	v7 =	vld [tilespmem:s20+$0x30]  }
0x54: {  	v8 =	vld [tilespmem:s21+$0x30]  }
0x55: {  	v10 =	vld [tilespmem:s20+$0x10]  }
0x56: {  	v11 =	vld [tilespmem:s21+$0x10]  }
0x57: {  	v13 =	vld [tilespmem:s21+$0xFFFFFFC0]  }
0x58: {  	v14 =	vld [tilespmem:s20+$0xFFFFFFD0]  }
0x59: {  	v4 =	vld [tilespmem:s21+$0xFFFFFFD0]  }
0x5a: {  	v15 =	vld [tilespmem:s20+$0xFFFFFFC0];
	_ =	sdelay $0x1  }
0x5b: {  	vm0 =	veq.s32 v7, v8  }
0x5c: {  	vm12 =	veq.s32 v10, v11;
	v5 =	vsel vm0, $0x400, v0  }
0x5d: {  	vm13 =	veq.s32 v14, v4;
	v12 =	vsel vm12, $0x400, v0;
	v5 =	vadd.s32 v5, v7  }
0x5e: {  	v6 =	vld [tilespmem:s20+$0x0];
	vm1 =	veq.s32 v15, v13;
	v16 =	vadd.s32 v12, v10;
	v5 =	vadd.s32 v1, v5  }
0x5f: {  	v17 =	vld [tilespmem:s20+$0x20];
	v7 =	vand.u32 $0x7F, v7;
	v16 =	vadd.s32 v1, v16;
	v9 =	vand.u32 $0xFFFFFF80, v5  }
0x60: {  	v12 =	vld [tilespmem:s21+$0x0];
	v10 =	vand.u32 $0x7F, v10;
	v16 =	vand.u32 $0xFFFFFF80, v16;
	v7 =	vor.u32 v7, v9  }
0x61: {  	v8 =	vadd.s32 v2, v8;
	v19 =	vsel vm1, $0x400, v0;
	v9 =	vld [tilespmem:s21+$0x20];
	v16 =	vor.u32 v10, v16  }
0x62: {  	v20 =	vadd.s32 v2, v11;
	v11 =	vadd.s32 v19, v15;
	v10 =	vsel vm13, $0x400, v0  }
0x63: {  	v18 =	vand.u32 $0x7F, v15;
	v11 =	vadd.s32 v1, v11;
	v5 =	vld [tilespmem:s20+$0xFFFFFFF0];
	v10 =	vadd.s32 v10, v14  }
0x64: {  	v15 =	vand.u32 $0x7F, v14;
	v11 =	vand.u32 $0xFFFFFF80, v11;
	v14 =	vadd.s32 v1, v10;
	v10 =	vld [tilespmem:s21+$0xFFFFFFF0]  }
0x65: {  	v11 =	vor.u32 v18, v11;
	[tilespmem:v7+s4+$0x0] =	vst.idx.add.s32.msk $0xffff, v3  }
0x66: {  	p1 =	por !p1, p0;
	s0 =	sadd.s32 @!p2 $0x1, s24;
	vm14 =	veq.s32 v6, v12;
	v18 =	vand.u32 $0xFFFFFF80, v14;
	vm15 =	veq.s32 v17, v9;
	[tilespmem:v16+s4+$0x0] =	vst.idx.add.s32.msk $0xffff, v3  }
0x67: {  	s3 =	smov.u32 s24;
	s24 =	smov.u32 @p1 s0;
	s0 =	simm.s32 $0x0;
	[tilespmem:v8+s16+$0x0] =	vst.idx.add.s32.msk $0xffff, v3;
	v8 =	vadd.s32 v2, v13;
	v13 =	vsel vm14, $0x400, v0;
	v16 =	vsel vm15, $0x400, v0  }
0x68: {  	s0 =	simm.s32 @p1 $0x1;
	s24 =	smov.u32 @p0 s3;
	v14 =	vld [tilespmem:s20+$0xFFFFFFE0];
	v15 =	vor.u32 v15, v18;
	v19 =	vadd.s32 v13, v6;
	v21 =	vadd.s32 v16, v17  }
0x69: {  	s3 =	sshll.u32 s14, $0x2;
	s0 =	simm.s32 @p0 $0x0;
	s14 =	sshll.u32 s15, $0x2;
	v16 =	vand.u32 $0x7F, v17;
	v13 =	vld [tilespmem:s21+$0xFFFFFFE0];
	v17 =	vadd.s32 v1, v19;
	v19 =	vadd.s32 v1, v21  }
0x6a: {  	s15 =	simm.s32 $0x0;
	s20 =	sadd.s32 $0x80, s20;
	v7 =	vand.u32 $0x7F, v5;
	[tilespmem:v20+s16+$0x0] =	vst.idx.add.s32.msk $0xffff, v3;
	s21 =	sadd.s32 $0x80, s21;
	v17 =	vand.u32 $0xFFFFFF80, v17;
	v18 =	vand.u32 $0xFFFFFF80, v19  }
.LBB2_7:
0x6b: {  	v19 =	vld [tilespmem:s20+$0x10];
	s15 =	sadd.s32 $0x80, s15  }
0x6c: {  	v6 =	vand.u32 $0x7F, v6;
	v16 =	vor.u32 v16, v18;
	v20 =	vld [tilespmem:s20+$0x30];
	p0 =	slt.u32 s15, $0x1E80  }
0x6d: {  	v17 =	vor.u32 v6, v17;
	v18 =	vld [tilespmem:s21+$0xFFFFFFC0]  }
0x6e: {  	v12 =	vadd.s32 v2, v12;
	v9 =	vadd.s32 v2, v9;
	v21 =	vld [tilespmem:s21+$0x30];
	vm0 =	veq.s32 v14, v13  }
0x6f: {  	[tilespmem:v15+s4+$0x0] =	vst.idx.add.s32.msk $0xffff, v3;
	v15 =	vsel vm0, $0x400, v0  }
0x70: {  	v6 =	vld [tilespmem:s20+$0x0];
	v15 =	vadd.s32 v15, v14  }
0x71: {  	v15 =	vadd.s32 v1, v15;
	[tilespmem:v16+s4+$0x0] =	vst.idx.add.s32.msk $0xffff, v3  }
0x72: {  	v14 =	vand.u32 $0x7F, v14;
	v15 =	vand.u32 $0xFFFFFF80, v15;
	[tilespmem:v17+s4+$0x0] =	vst.idx.add.s32.msk $0xffff, v3  }
0x73: {  	v16 =	vld [tilespmem:s20+$0xFFFFFFC0];
	v14 =	vor.u32 v14, v15  }
0x74: {  	v13 =	vadd.s32 v2, v13;
	vm0 =	veq.s32 v20, v21;
	[tilespmem:v12+s16+$0x0] =	vst.idx.add.s32.msk $0xffff, v3  }
0x75: {  	v12 =	vsel vm0, $0x400, v0;
	[tilespmem:v9+s16+$0x0] =	vst.idx.add.s32.msk $0xffff, v3  }
0x76: {  	v9 =	vadd.s32 v12, v20;
	v15 =	vld [tilespmem:s20+$0xFFFFFFD0]  }
0x77: {  	v9 =	vadd.s32 v1, v9;
	v17 =	vld [tilespmem:s21+$0x10]  }
0x78: {  	vm0 =	veq.s32 v5, v10;
	v9 =	vand.u32 $0xFFFFFF80, v9;
	[tilespmem:v14+s4+$0x0] =	vst.idx.add.s32.msk $0xffff, v3  }
0x79: {  	v12 =	vsel vm0, $0x400, v0;
	v14 =	vld [tilespmem:s21+$0xFFFFFFD0]  }
0x7a: {  	v20 =	vand.u32 $0x7F, v20;
	v12 =	vadd.s32 v12, v5;
	v5 =	vld [tilespmem:s20+$0xFFFFFFF0]  }
0x7b: {  	v12 =	vadd.s32 v1, v12;
	v20 =	vor.u32 v20, v9;
	[tilespmem:v13+s16+$0x0] =	vst.idx.add.s32.msk $0xffff, v3  }
0x7c: {  	v13 =	vand.u32 $0xFFFFFF80, v12;
	vm0 =	veq.s32 v19, v17;
	v9 =	vld [tilespmem:s21+$0x20]  }
0x7d: {  	v23 =	vadd.s32 v2, v4;
	v13 =	vor.u32 v7, v13;
	v12 =	vld [tilespmem:s21+$0x0];
	v22 =	vsel vm0, $0x400, v0  }
0x7e: {  	v10 =	vadd.s32 v2, v10;
	v7 =	vadd.s32 v22, v19;
	[tilespmem:v11+s4+$0x0] =	vst.idx.add.s32.msk $0xffff, v3;
	v4 =	vmov v14  }
0x7f: {  	v11 =	vand.u32 $0x7F, v19;
	vm0 =	veq.s32 v15, v4;
	v7 =	vadd.s32 v1, v7;
	v19 =	vld [tilespmem:s20+$0x20]  }
0x80: {  	v21 =	vadd.s32 v2, v21;
	vm1 =	veq.s32 v16, v18;
	v14 =	vand.u32 $0xFFFFFF80, v7;
	[tilespmem:v20+s4+$0x0] =	vst.idx.add.s32.msk $0xffff, v3  }
0x81: {  	v24 =	vadd.s32 v2, v17;
	v20 =	vand.u32 $0x7F, v16;
	v22 =	vsel vm0, $0x400, v0;
	[tilespmem:v8+s16+$0x0] =	vst.idx.add.s32.msk $0xffff, v3  }
0x82: {  	v7 =	vand.u32 $0x7F, v5;
	v8 =	vsel vm1, $0x400, v0;
	v14 =	vor.u32 v11, v14;
	[tilespmem:v13+s4+$0x0] =	vst.idx.add.s32.msk $0xffff, v3  }
0x83: {  	v8 =	vadd.s32 v8, v16;
	v13 =	vand.u32 $0x7F, v15;
	vm0 =	veq.s32 v6, v12;
	[tilespmem:v10+s16+$0x0] =	vst.idx.add.s32.msk $0xffff, v3  }
0x84: {  	v8 =	vadd.s32 v1, v8;
	v10 =	vadd.s32 v22, v15;
	[tilespmem:v23+s16+$0x0] =	vst.idx.add.s32.msk $0xffff, v3  }
0x85: {  	v11 =	vand.u32 $0xFFFFFF80, v8;
	v15 =	vadd.s32 v1, v10;
	vm1 =	veq.s32 v19, v9;
	[tilespmem:v21+s16+$0x0] =	vst.idx.add.s32.msk $0xffff, v3  }
.Ltmp2:
0x86: {  	v17 =	vsel vm0, $0x400, v0;
	v8 =	vadd.s32 v2, v18;
	v11 =	vor.u32 v20, v11;
	v10 =	vld [tilespmem:s21+$0xFFFFFFF0];
	(pc) =	sbr.rel @p0 .LBB2_7-.Ltmp2, $4  }
0x87: {  	v16 =	vand.u32 $0x7F, v19;
	v15 =	vand.u32 $0xFFFFFF80, v15;
	v18 =	vsel vm1, $0x400, v0;
	[tilespmem:v14+s4+$0x0] =	vst.idx.add.s32.msk $0xffff, v3  }
0x88: {  	v17 =	vadd.s32 v17, v6;
	v15 =	vor.u32 v13, v15;
	v18 =	vadd.s32 v18, v19;
	v14 =	vld [tilespmem:s20+$0xFFFFFFE0]  }
0x89: {  	v17 =	vadd.s32 v1, v17;
	v18 =	vadd.s32 v1, v18;
	v13 =	vld [tilespmem:s21+$0xFFFFFFE0]  }
0x8a: {  	v17 =	vand.u32 $0xFFFFFF80, v17;
	v18 =	vand.u32 $0xFFFFFF80, v18;
	s20 =	sadd.s32 $0x80, s20;
	s21 =	sadd.s32 $0x80, s21;
	[tilespmem:v24+s16+$0x0] =	vst.idx.add.s32.msk $0xffff, v3  }
0x8b: {  	_ =	sdelay $0x2  }
0x8c: {  	v16 =	vor.u32 v16, v18;
	vm15 =	veq.s32 v5, v10  }
0x8d: {  	v6 =	vand.u32 $0x7F, v6;
	[tilespmem:v15+s4+$0x0] =	vst.idx.add.s32.msk $0xffff, v3;
	v4 =	vadd.s32 v2, v4;
	v61 =	vsel vm15, $0x400, v0  }
0x8e: {  	v6 =	vor.u32 v6, v17;
	v5 =	vadd.s32 v61, v5;
	vm0 =	veq.s32 v14, v13  }
0x8f: {  	v9 =	vadd.s32 v2, v9;
	[tilespmem:v11+s4+$0x0] =	vst.idx.add.s32.msk $0xffff, v3;
	v5 =	vadd.s32 v1, v5;
	v58 =	vsel vm0, $0x400, v0  }
0x90: {  	v12 =	vadd.s32 v2, v12;
	[tilespmem:v8+s16+$0x0] =	vst.idx.add.s32.msk $0xffff, v3;
	v5 =	vand.u32 $0xFFFFFF80, v5;
	v59 =	vadd.s32 v58, v14  }
0x91: {  	[tilespmem:v16+s4+$0x0] =	vst.idx.add.s32.msk $0xffff, v3;
	v5 =	vor.u32 v7, v5;
	v17 =	vadd.s32 v1, v59  }
0x92: {  	v63 =	vadd.s32 v2, v10;
	v60 =	vand.u32 $0x7F, v14;
	[tilespmem:v4+s16+$0x0] =	vst.idx.add.s32.msk $0xffff, v3;
	v17 =	vand.u32 $0xFFFFFF80, v17  }
0x93: {  	[tilespmem:v6+s4+$0x0] =	vst.idx.add.s32.msk $0xffff, v3;
	v14 =	vor.u32 v60, v17  }
0x94: {  	v62 =	vadd.s32 v2, v13;
	[tilespmem:v9+s16+$0x0] =	vst.idx.add.s32.msk $0xffff, v3  }
0x95: {  	[tilespmem:v12+s16+$0x0] =	vst.idx.add.s32.msk $0xffff, v3  }
0x96: {  	[tilespmem:v5+s4+$0x0] =	vst.idx.add.s32.msk $0xffff, v3  }
0x97: {  	[tilespmem:v63+s16+$0x0] =	vst.idx.add.s32.msk $0xffff, v3  }
0x98: {  	s14 =	sshrl.u32 s14, $0x2;
	s15 =	sshrl.u32 s3, $0x2;
	[tilespmem:v14+s4+$0x0] =	vst.idx.add.s32.msk $0xffff, v3  }
0x99: {  	s3 =	sadd.s32 $0x12980, s14;
	s14 =	sadd.s32 $0xEB00, s15;
	s15 =	simm.s32 $0x1EF0;
	[tilespmem:v62+s16+$0x0] =	vst.idx.add.s32.msk $0xffff, v3  }
.LBB2_9:
0x9a: {  	v4 =	vld [tilespmem:s14+$0x0]  }
0x9b: {  	v5 =	vld [tilespmem:s3+$0x0];
	_ =	sdelay $0x4  }
0x9c: {  	vm0 =	veq.s32 v4, v5  }
0x9d: {  	v6 =	vsel vm0, $0x400, v0  }
0x9e: {  	v6 =	vadd.s32 v6, v4  }
0x9f: {  	v6 =	vadd.s32 v1, v6  }
0xa0: {  	v4 =	vand.u32 $0x7F, v4;
	v6 =	vand.u32 $0xFFFFFF80, v6  }
0xa1: {  	s15 =	sadd.s32 $0x10, s15;
	v4 =	vor.u32 v4, v6  }
0xa2: {  	p0 =	slt.u32 s15, $0x1F30;
	v5 =	vadd.s32 v2, v5  }
.Ltmp3:
0xa3: {  	_ = 	snop;
	(pc) =	sbr.rel @p0 .LBB2_9-.Ltmp3, $3  }
0xa4: {  	_ =	sdelay $0x1  }
0xa5: {  	[tilespmem:v4+s4+$0x0] =	vst.idx.add.s32.msk $0xffff, v3  }
0xa6: {  	s3 =	sadd.s32 $0x10, s3;
	s14 =	sadd.s32 $0x10, s14;
	[tilespmem:v5+s16+$0x0] =	vst.idx.add.s32.msk $0xffff, v3  }
0xa7: {  	p0 =	sne.s32 s30, s31;
	p1 =	seq.s32 s29, s9  }
0xa8: {  	s3 =	simm.s32 $0x1;
	s29 =	sadd.s32 $0x1, s29;
	p0 =	por p1, p0  }
0xa9: {  	s3 =	simm.s32 @!p0 $0x0;
	p0 =	sne.s32 s29, s6  }
.Ltmp4:
0xaa: {  	_ = 	snop;
	(pc) =	sbr.rel @p0 .LBB2_6-.Ltmp4, $3  }
0xab: {  	_ =	sdelay $0x1  }
0xac: {  	s26 =	sadd.s32 s26, s0;
	_ =	strace $0x9000004D  }
0xad: {  	s30 =	smov.u32 s31;
	s28 =	sadd.s32 s3, s28;
	s25 =	sadd.s32 s3, s25  }
0xae: {  	s0 =	simm.s32 $0xA000  }
0xaf: {  	v4 =	vld [tilespmem:s0+$0x1800];
	_ =	sdelay $0x4  }
0xb0: {  	[tilespmem:$0x1FFC0] =	vst v4  }
0xb1: {  	v4 =	vld [tilespmem:s0+$0x1400];
	_ =	sdelay $0x4  }
0xb2: {  	[tilespmem:$0x1FFB0] =	vst v4  }
0xb3: {  	v4 =	vld [tilespmem:s0+$0x1000];
	_ =	sdelay $0x4  }
0xb4: {  	[tilespmem:$0x1FFA0] =	vst v4  }
0xb5: {  	v4 =	vld [tilespmem:s0+$0xC00];
	_ =	sdelay $0x4  }
0xb6: {  	[tilespmem:$0x1FF90] =	vst v4  }
0xb7: {  	v4 =	vld [tilespmem:s0+$0x800];
	_ =	sdelay $0x4  }
0xb8: {  	[tilespmem:$0x1FF80] =	vst v4  }
0xb9: {  	v4 =	vld [tilespmem:s0+$0x400];
	_ =	sdelay $0x4  }
0xba: {  	[tilespmem:$0x1FF70] =	vst v4  }
0xbb: {  	s3 =	simm.s32 $0x2000;
	v58 =	vld [tilespmem:s0+$0x0]  }
0xbc: {  	v8 =	vld [tilespmem:s3+$0x1800]  }
0xbd: {  	v9 =	vld [tilespmem:s3+$0x1C00]  }
0xbe: {  	v10 =	vld [tilespmem:s0+$0xFFFFFC00]  }
0xbf: {  	v18 =	vld [tilespmem:s3+$0x1000]  }
0xc0: {  	v19 =	vld [tilespmem:s3+$0x1400]  }
0xc1: {  	v20 =	vld [tilespmem:s0+$0xFFFFF800]  }
0xc2: {  	v21 =	vld [tilespmem:s3+$0x800]  }
0xc3: {  	v22 =	vld [tilespmem:s3+$0xC00]  }
0xc4: {  	v23 =	vld [tilespmem:s0+$0xFFFFF400]  }
0xc5: {  	v24 =	vld [tilespmem:s3+$0x0]  }
0xc6: {  	v25 =	vld [tilespmem:s3+$0x400]  }
0xc7: {  	v26 =	vld [tilespmem:s0+$0xFFFFF000]  }
0xc8: {  	v27 =	vld [tilespmem:s3+$0xFFFFF800]  }
0xc9: {  	v28 =	vld [tilespmem:s3+$0xFFFFFC00]  }
0xca: {  	v29 =	vld [tilespmem:s0+$0xFFFFEC00]  }
0xcb: {  	v30 =	vld [tilespmem:s3+$0xFFFFF000]  }
0xcc: {  	v31 =	vld [tilespmem:s3+$0xFFFFF400]  }
0xcd: {  	v32 =	vld [tilespmem:s0+$0xFFFFE800]  }
0xce: {  	v33 =	vld [tilespmem:s3+$0xFFFFE000]  }
0xcf: {  	v34 =	vld [tilespmem:s3+$0xFFFFE400]  }
0xd0: {  	v35 =	vld [tilespmem:s0+$0xFFFFE000]  }
0xd1: {  	v36 =	vld [tilespmem:s3+$0xFFFFE800]  }
0xd2: {  	s14 =	simm.s32 $0x0;
	v37 =	vld [tilespmem:s3+$0xFFFFEC00]  }
0xd3: {  	s29 =	sand.u32 $0x3F0, s14;
	v38 =	vld [tilespmem:s0+$0xFFFFE400]  }
0xd4: {  	v57 =	vld [tilespmem:s29+$0x7800]  }
0xd5: {  	v40 =	vld [tilespmem:s29+$0x7000]  }
0xd6: {  	v41 =	vld [tilespmem:s29+$0x6800]  }
0xd7: {  	v42 =	vld [tilespmem:s29+$0x6000]  }
0xd8: {  	v43 =	vld [tilespmem:s29+$0x5800]  }
0xd9: {  	v44 =	vld [tilespmem:s29+$0x5000]  }
0xda: {  	v45 =	vld [tilespmem:s29+$0x4800]  }
0xdb: {  	v46 =	vld [tilespmem:s29+$0x4000]  }
0xdc: {  	v47 =	vld [tilespmem:s29+$0x4400]  }
0xdd: {  	v48 =	vld [tilespmem:s29+$0x4C00]  }
0xde: {  	v49 =	vld [tilespmem:s29+$0x5400]  }
0xdf: {  	v50 =	vld [tilespmem:s29+$0x5C00]  }
0xe0: {  	v51 =	vld [tilespmem:s29+$0x6400]  }
0xe1: {  	v52 =	vld [tilespmem:s29+$0x6C00]  }
0xe2: {  	v53 =	vld [tilespmem:s29+$0x7400]  }
0xe3: {  	s30 =	simm.s32 $0xA010;
	v54 =	vld [tilespmem:s29+$0x7C00]  }
0xe4: {  	v11 =	vld [tilespmem:s30+$0x800]  }
0xe5: {  	v55 =	vld [tilespmem:s0+$0x1C00]  }
0xe6: {  	v4 =	vld [tilespmem:s30+$0x1800]  }
0xe7: {  	v6 =	vld [tilespmem:s30+$0x1400]  }
0xe8: {  	v5 =	vld [tilespmem:s30+$0x1000]  }
0xe9: {  	v7 =	vld [tilespmem:s30+$0xC00];
	[tilespmem:$0x1FFF0] =	vst v11  }
0xea: {  	v33 =	vadd.s32 v33, v36;
	v34 =	vadd.s32 v34, v37;
	v11 =	vld [tilespmem:s30+$0x400]  }
0xeb: {  	v30 =	vadd.s32 v30, v33;
	v31 =	vadd.s32 v31, v34  }
0xec: {  	v27 =	vadd.s32 v27, v30;
	v28 =	vadd.s32 v28, v31  }
0xed: {  	v24 =	vadd.s32 v24, v27;
	v25 =	vadd.s32 v25, v28  }
0xee: {  	v21 =	vadd.s32 v21, v24;
	v22 =	vadd.s32 v22, v25  }
0xef: {  	v18 =	vadd.s32 v18, v21;
	v19 =	vadd.s32 v19, v22;
	[tilespmem:$0x1FFE0] =	vst v11  }
0xf0: {  	v8 =	vadd.s32 v8, v18;
	v9 =	vadd.s32 v9, v19;
	v11 =	vld [tilespmem:s30+$0x0]  }
0xf1: {  	v8 =	vadd.s32 v46, v8;
	v9 =	vadd.s32 v47, v9;
	v46 =	vld [tilespmem:$0x1FF80]  }
0xf2: {  	v8 =	vadd.s32 v45, v8;
	v9 =	vadd.s32 v48, v9;
	v48 =	vld [tilespmem:$0x1FF90]  }
0xf3: {  	v8 =	vadd.s32 v44, v8;
	v44 =	vld [tilespmem:$0x1FF70];
	v9 =	vadd.s32 v49, v9  }
0xf4: {  	v49 =	vld [tilespmem:$0x1FFA0];
	v47 =	vadd.s32 v50, v9  }
0xf5: {  	s24 =	simm.s32 $0x2010;
	v25 =	vadd.s32 v51, v47;
	v51 =	vld [tilespmem:$0x1FFB0];
	[tilespmem:$0x1FFD0] =	vst v11  }
0xf6: {  	v59 =	vld [tilespmem:s24+$0x1800]  }
0xf7: {  	v60 =	vld [tilespmem:s24+$0x1C00]  }
0xf8: {  	v61 =	vld [tilespmem:s30+$0xFFFFFC00]  }
0xf9: {  	v62 =	vld [tilespmem:s24+$0x1000]  }
0xfa: {  	v63 =	vld [tilespmem:s24+$0x1400]  }
0xfb: {  	v56 =	vld [tilespmem:s30+$0xFFFFF800]  }
0xfc: {  	v16 =	vld [tilespmem:s24+$0x800]  }
0xfd: {  	v17 =	vld [tilespmem:s24+$0xC00]  }
0xfe: {  	v39 =	vld [tilespmem:s30+$0xFFFFF400]  }
0xff: {  	v13 =	vld [tilespmem:s24+$0x0]  }
0x100: {  	v14 =	vld [tilespmem:s24+$0x400]  }
0x101: {  	v15 =	vld [tilespmem:s30+$0xFFFFF000]  }
0x102: {  	v11 =	vld [tilespmem:s24+$0xFFFFF800]  }
0x103: {  	v12 =	vld [tilespmem:s24+$0xFFFFFC00]  }
0x104: {  	v36 =	vld [tilespmem:s30+$0xFFFFEC00]  }
0x105: {  	v35 =	vadd.s32 v35, v38;
	v33 =	vld [tilespmem:s24+$0xFFFFF000]  }
0x106: {  	v32 =	vadd.s32 v32, v35;
	v35 =	vld [tilespmem:s24+$0xFFFFE000]  }
0x107: {  	v19 =	vld [tilespmem:s24+$0xFFFFE800]  }
0x108: {  	v30 =	vld [tilespmem:s24+$0xFFFFF400]  }
0x109: {  	v29 =	vadd.s32 v29, v32;
	v34 =	vld [tilespmem:s30+$0xFFFFE800]  }
0x10a: {  	v26 =	vadd.s32 v26, v29;
	v18 =	vld [tilespmem:s30+$0xFFFFE000]  }
0x10b: {  	v23 =	vadd.s32 v23, v26;
	v38 =	vld [tilespmem:s30+$0xFFFFE400]  }
0x10c: {  	s25 =	simm.s32 $0x10;
	v20 =	vadd.s32 v20, v23;
	v37 =	vld [tilespmem:s24+$0xFFFFE400];
	v19 =	vadd.s32 v35, v19  }
0x10d: {  	s31 =	sand.u32 $0x3F0, s25;
	v10 =	vadd.s32 v10, v20;
	v45 =	vadd.s32 v43, v8;
	v20 =	vld [tilespmem:s24+$0xFFFFEC00];
	v19 =	vadd.s32 v33, v19  }
0x10e: {  	v10 =	vadd.s32 v58, v10;
	v23 =	vadd.s32 v42, v45;
	v11 =	vadd.s32 v11, v19;
	v19 =	vld [tilespmem:s31+$0x4000]  }
0x10f: {  	v23 =	vadd.s32 v41, v23;
	v25 =	vadd.s32 v52, v25;
	v8 =	vld [tilespmem:s31+$0x7800];
	v11 =	vadd.s32 v13, v11  }
0x110: {  	v9 =	vld [tilespmem:s31+$0x7000];
	v23 =	vadd.s32 v40, v23;
	v18 =	vadd.s32 v18, v38;
	v11 =	vadd.s32 v16, v11  }
0x111: {  	s0 =	simm.s32 $0xC000;
	v50 =	vld [tilespmem:s31+$0x6000];
	v23 =	vadd.s32 v57, v23;
	v18 =	vadd.s32 v34, v18;
	v11 =	vadd.s32 v62, v11  }
0x112: {  	v25 =	vadd.s32 v53, v25;
	v53 =	vld [tilespmem:$0x1FFC0];
	[tilespmem:s0+$0x0] =	vst v23;
	v18 =	vadd.s32 v36, v18;
	v11 =	vadd.s32 v59, v11  }
0x113: {  	v20 =	vadd.s32 v37, v20;
	v15 =	vadd.s32 v15, v18;
	v18 =	vadd.s32 v19, v11;
	v19 =	vld [tilespmem:$0x1FFD0]  }
0x114: {  	v52 =	vld [tilespmem:s31+$0x5800];
	v10 =	vadd.s32 v44, v10;
	v20 =	vadd.s32 v30, v20  }
0x115: {  	v25 =	vadd.s32 v54, v25;
	v12 =	vadd.s32 v12, v20;
	v13 =	vld [tilespmem:s31+$0x4400];
	v15 =	vadd.s32 v39, v15  }
0x116: {  	s26 =	simm.s32 $0xC400;
	v10 =	vadd.s32 v46, v10;
	v12 =	vadd.s32 v14, v12;
	v14 =	vld [tilespmem:s31+$0x4C00];
	v15 =	vadd.s32 v56, v15  }
0x117: {  	v26 =	vadd.s32 v48, v10;
	v16 =	vld [tilespmem:s31+$0x5400];
	v15 =	vadd.s32 v61, v15;
	[tilespmem:s26+$0x0] =	vst v25  }
0x118: {  	v26 =	vadd.s32 v49, v26;
	v12 =	vadd.s32 v17, v12;
	v15 =	vadd.s32 v19, v15;
	v19 =	vld [tilespmem:$0x1FFE0]  }
0x119: {  	v58 =	vld [tilespmem:s31+$0x4800];
	v26 =	vadd.s32 v51, v26;
	v12 =	vadd.s32 v63, v12  }
0x11a: {  	v57 =	vld [tilespmem:s31+$0x5000];
	v26 =	vadd.s32 v53, v26;
	v12 =	vadd.s32 v60, v12  }
0x11b: {  	s28 =	simm.s32 $0xC800;
	v10 =	vld [tilespmem:s31+$0x6800];
	v26 =	vadd.s32 v55, v26;
	v13 =	vadd.s32 v13, v12  }
0x11c: {  	v17 =	vld [tilespmem:s31+$0x5C00];
	v14 =	vadd.s32 v14, v13;
	[tilespmem:s28+$0x0] =	vst v26  }
0x11d: {  	v15 =	vadd.s32 v19, v15;
	v19 =	vadd.s32 v16, v14;
	v16 =	vld [tilespmem:$0x1FFF0]  }
0x11e: {  	v11 =	vld [tilespmem:s31+$0x6400]  }
0x11f: {  	v18 =	vadd.s32 v58, v18;
	v12 =	vld [tilespmem:s31+$0x6C00]  }
0x120: {  	v18 =	vadd.s32 v57, v18;
	v13 =	vld [tilespmem:s31+$0x7400]  }
0x121: {  	v18 =	vadd.s32 v52, v18;
	v14 =	vld [tilespmem:s31+$0x7C00]  }
0x122: {  	s3 =	simm.s32 $0xA020;
	v18 =	vadd.s32 v50, v18;
	v17 =	vadd.s32 v17, v19;
	v16 =	vadd.s32 v16, v15;
	v15 =	vld [tilespmem:s30+$0x1C00]  }
.LBB2_12:
0x123: {  	v19 =	vld [tilespmem:s3+$0x1800];
	v7 =	vadd.s32 v7, v16;
	v11 =	vadd.s32 v11, v17;
	v10 =	vadd.s32 v10, v18  }
0x124: {  	v16 =	vld [tilespmem:s3+$0x1400];
	v7 =	vadd.s32 v5, v7;
	v11 =	vadd.s32 v12, v11;
	v9 =	vadd.s32 v9, v10  }
0x125: {  	s0 =	sadd.s32 $0x10, s0;
	v5 =	vld [tilespmem:s3+$0x1000];
	v6 =	vadd.s32 v6, v7;
	v10 =	vadd.s32 v13, v11;
	v8 =	vadd.s32 v8, v9  }
0x126: {  	s26 =	sadd.s32 $0x10, s26;
	v7 =	vld [tilespmem:s3+$0xC00];
	v9 =	vadd.s32 v4, v6;
	v6 =	vadd.s32 v14, v10;
	[tilespmem:s0+$0x0] =	vst v8  }
0x127: {  	s28 =	sadd.s32 $0x10, s28;
	v17 =	vld [tilespmem:s3+$0x800];
	v8 =	vadd.s32 v15, v9;
	[tilespmem:s26+$0x0] =	vst v6  }
0x128: {  	v14 =	vld [tilespmem:s3+$0x400];
	[tilespmem:s28+$0x0] =	vst v8;
	v4 =	vmov v19  }
0x129: {  	s24 =	sadd.s32 $0x10, s24;
	v13 =	vld [tilespmem:s3+$0x0];
	v6 =	vmov v16  }
0x12a: {  	v11 =	vld [tilespmem:s24+$0x1800]  }
0x12b: {  	v12 =	vld [tilespmem:s24+$0x1C00]  }
0x12c: {  	v15 =	vld [tilespmem:s3+$0xFFFFFC00]  }
0x12d: {  	v16 =	vld [tilespmem:s24+$0x1000]  }
0x12e: {  	v18 =	vld [tilespmem:s24+$0x1400]  }
0x12f: {  	v19 =	vld [tilespmem:s3+$0xFFFFF800]  }
0x130: {  	v20 =	vld [tilespmem:s24+$0x800]  }
0x131: {  	v21 =	vld [tilespmem:s24+$0xC00]  }
0x132: {  	v22 =	vld [tilespmem:s3+$0xFFFFF400]  }
0x133: {  	v23 =	vld [tilespmem:s24+$0x0]  }
0x134: {  	v24 =	vld [tilespmem:s24+$0x400]  }
0x135: {  	v25 =	vld [tilespmem:s3+$0xFFFFF000]  }
0x136: {  	v26 =	vld [tilespmem:s24+$0xFFFFF800]  }
0x137: {  	v27 =	vld [tilespmem:s24+$0xFFFFFC00]  }
0x138: {  	v28 =	vld [tilespmem:s3+$0xFFFFEC00]  }
0x139: {  	v29 =	vld [tilespmem:s24+$0xFFFFF000]  }
0x13a: {  	v30 =	vld [tilespmem:s24+$0xFFFFF400]  }
0x13b: {  	v31 =	vld [tilespmem:s3+$0xFFFFE800]  }
0x13c: {  	v32 =	vld [tilespmem:s24+$0xFFFFE000]  }
0x13d: {  	v33 =	vld [tilespmem:s24+$0xFFFFE400]  }
0x13e: {  	v34 =	vld [tilespmem:s3+$0xFFFFE000]  }
0x13f: {  	v35 =	vld [tilespmem:s24+$0xFFFFE800]  }
0x140: {  	s25 =	sadd.s32 $0x10, s25;
	v36 =	vld [tilespmem:s24+$0xFFFFEC00]  }
0x141: {  	s14 =	sand.u32 $0x3F0, s25;
	v37 =	vld [tilespmem:s3+$0xFFFFE400]  }
0x142: {  	v8 =	vld [tilespmem:s14+$0x7800]  }
0x143: {  	v9 =	vld [tilespmem:s14+$0x7000]  }
0x144: {  	p0 =	slt.u32 s25, $0x3F0;
	v10 =	vld [tilespmem:s14+$0x6800]  }
0x145: {  	v38 =	vld [tilespmem:s14+$0x6000]  }
0x146: {  	v39 =	vld [tilespmem:s14+$0x5800]  }
0x147: {  	v32 =	vadd.s32 v32, v35;
	v35 =	vld [tilespmem:s14+$0x5000]  }
0x148: {  	v33 =	vadd.s32 v33, v36;
	v29 =	vadd.s32 v29, v32;
	v32 =	vld [tilespmem:s14+$0x4800]  }
0x149: {  	v34 =	vadd.s32 v34, v37;
	v30 =	vadd.s32 v30, v33;
	v26 =	vadd.s32 v26, v29;
	v29 =	vld [tilespmem:s14+$0x4000]  }
0x14a: {  	v31 =	vadd.s32 v31, v34;
	v27 =	vadd.s32 v27, v30;
	v23 =	vadd.s32 v23, v26;
	v26 =	vld [tilespmem:s14+$0x4400]  }
0x14b: {  	v28 =	vadd.s32 v28, v31;
	v24 =	vadd.s32 v24, v27;
	v20 =	vadd.s32 v20, v23;
	v23 =	vld [tilespmem:s14+$0x4C00]  }
0x14c: {  	v25 =	vadd.s32 v25, v28;
	v21 =	vadd.s32 v21, v24;
	v16 =	vadd.s32 v16, v20;
	v20 =	vld [tilespmem:s14+$0x5400]  }
0x14d: {  	v22 =	vadd.s32 v22, v25;
	v18 =	vadd.s32 v18, v21;
	v11 =	vadd.s32 v11, v16;
	v21 =	vld [tilespmem:s14+$0x5C00]  }
.Ltmp5:
0x14e: {  	v16 =	vadd.s32 v19, v22;
	v12 =	vadd.s32 v12, v18;
	v18 =	vadd.s32 v29, v11;
	v11 =	vld [tilespmem:s14+$0x6400];
	(pc) =	sbr.rel @p0 .LBB2_12-.Ltmp5, $4  }
0x14f: {  	v15 =	vadd.s32 v15, v16;
	v16 =	vadd.s32 v26, v12;
	v18 =	vadd.s32 v32, v18;
	v12 =	vld [tilespmem:s14+$0x6C00]  }
0x150: {  	v15 =	vadd.s32 v13, v15;
	v16 =	vadd.s32 v23, v16;
	v18 =	vadd.s32 v35, v18;
	v13 =	vld [tilespmem:s14+$0x7400]  }
0x151: {  	v15 =	vadd.s32 v14, v15;
	v19 =	vadd.s32 v20, v16;
	v18 =	vadd.s32 v39, v18;
	v14 =	vld [tilespmem:s14+$0x7C00]  }
0x152: {  	v16 =	vadd.s32 v17, v15;
	v17 =	vadd.s32 v21, v19;
	v18 =	vadd.s32 v38, v18;
	v15 =	vld [tilespmem:s3+$0x1C00];
	s3 =	sadd.s32 $0x10, s3  }
0x153: {  	v7 =	vadd.s32 v7, v16;
	v11 =	vadd.s32 v11, v17;
	v10 =	vadd.s32 v10, v18  }
0x154: {  	v5 =	vadd.s32 v5, v7;
	v61 =	vadd.s32 v12, v11;
	v9 =	vadd.s32 v9, v10  }
0x155: {  	s0 =	sadd.s32 $0x10, s0;
	v5 =	vadd.s32 v6, v5;
	v62 =	vadd.s32 v13, v61;
	v63 =	vadd.s32 v8, v9  }
0x156: {  	s26 =	sadd.s32 $0x10, s26;
	v4 =	vadd.s32 v4, v5;
	v5 =	vadd.s32 v14, v62;
	[tilespmem:s0+$0x0] =	vst v63  }
0x157: {  	s29 =	sadd.s32 $0x10, s28;
	v4 =	vadd.s32 v15, v4;
	[tilespmem:s26+$0x0] =	vst v5  }
0x158: {  	s30 =	simm.s32 $0xC000;
	[tilespmem:s29+$0x0] =	vst v4  }
0x159: {  	[hbm4b:s10+s18] =	stream.strided.scatter [tilespmem:s30], [sflag:$0x1], $0x400, s19, s18, $0x38;
	[tilespmem:$0x14900] =	vst v63  }
0x15a: {  	_ =	swait.ge [sflag:s17], $0x400  }
0x15b: {  	[sflag:s17] =	ssyncset.done $0x0  }
0x15c: {  	s31 =	simm.s32 $0xC400;
	[sflag:s17] =	ssyncadd.s32 $0xFFFFFC00  }
0x15d: {  	[hbm4b:s11+s18] =	stream.strided.scatter [tilespmem:s31], [sflag:$0x1], $0x400, s19, s18, $0x38;
	[tilespmem:$0x14900] =	vst v63  }
0x15e: {  	s23 =	sadd.s32 $0x1, s23;
	_ =	swait.ge [sflag:s17], $0x400  }
0x15f: {  	p0 =	sne.s32 s23, s13;
	[sflag:s17] =	ssyncset.done $0x0  }
.Ltmp6:
0x160: {  	[sflag:s17] =	ssyncadd.s32 $0xFFFFFC00;
	(pc) =	sbr.rel @p0 .LBB2_1-.Ltmp6, $4  }
0x161: {  	[hbm4b:s12+s18] =	stream.strided.scatter [tilespmem:s22], [sflag:$0x1], $0x400, s19, s18, $0x38;
	[tilespmem:$0x14900] =	vst v63  }
0x162: {  	_ =	swait.ge [sflag:s17], $0x400  }
0x163: {  	[sflag:s17] =	ssyncset.done $0x0  }
0x164: {  	[sflag:s17] =	ssyncadd.s32 $0xFFFFFC00  }
0x165: {  	_ =	sfence.sel $0x180000  }
0x166: {  	[bflag:$0x0] =	sbarrier.arrive $0xFFFF  }
0x167: {  	_ =	strace $0x90000047  }
0x168: {  	s0 =	stileid.u32;
	[bflag:$0x2] =	sbarrier.arrive $0xFFFF  }
0x169: {  	p0 =	sne.s32 s0, $0x0;
	s0 =	rddreg [dreg:$0x3]  }
0x16a: {  	s0 =	sadd.s32 @!p0 $0x100000, s0  }
0x16b: {  	[sflag:s0] =	ssyncadd.tile.s32 @!p0 $0x1;
	_ =	shalt  }
.Lfunc_end2:
_tile_overlayer_lowered:
.L_overlay_start_2:
0x16c: {  	(tag) =	ssettag $0x2  }
0x16d: {  	s0 =	rddreg [dreg:$0x0];
	s2 =	stileid.u32  }
0x16e: {  	s1 =	rddreg [dreg:$0x1];
	p0 =	sne.s32 s2, $0x0  }
0x16f: {  	s3 =	rddreg [dreg:$0x2];
	[bflag:$0x3] =	sbarrier.arrive $0xFFFF;
	s2 =	simm.s32 @!p0 $0x1C01  }
0x170: {  	[timem:s3], [sflag:s2] =	dma.local @!p0 [hbm:s0], s1  }
0x171: {  	s0 =	simm.s32 @!p0 $0x1  }
0x172: {  	_ =	swait.ge @!p0 [sflag:s0], s1  }
0x173: {  	s1 =	ssub.s32 @!p0 $0x0, s1;
	[sflag:s0] =	ssyncset.done @!p0 $0x0  }
0x174: {  	[sflag:s0] =	ssyncadd.s32 @!p0 s1  }
0x175: {  	[bflag:$0x3] =	sbarrier.arrive $0xFFFF  }
0x176: {  	_ =	shalt  }

</sc_bundles>
